<compile_context>
chip_gen: v7x
topology: tpu7x:2x2x1
jax: 0.10.2.dev20260603
libtpu: 0.0.44.dev20260713+nightly
codegen_flags: <defaults>
</compile_context>

<pallas_src>
import functools
import math

import jax
import jax.numpy as jnp
from jax import lax
from jax.experimental import pallas as pl
from jax.experimental.pallas import tpu as pltpu
from jax.experimental.pallas import tpu_sc as plsc

N_NODES = 10000
N_EDGES = 160000
D_IN = 768
D_H = 128

NUM_CORES = 2
NUM_SUBCORES = 16
NUM_WORKERS = NUM_CORES * NUM_SUBCORES
ROWS_PER_XFER = 128
NBUF = 2
LOOKAHEAD = 1
T0 = 40
T1 = 40
ROWS0 = NUM_SUBCORES * T0
T_MAX = max(T0, T1)
_ROWS_NEEDED = ROWS0 + (NUM_SUBCORES - 1) * T1 + T_MAX
E_PAD_ROWS = -(-_ROWS_NEEDED // 8) * 8
E_PAD = E_PAD_ROWS * ROWS_PER_XFER
N_REAL_ROWS = ROWS0 + NUM_SUBCORES * T1
assert N_REAL_ROWS * ROWS_PER_XFER >= N_EDGES
N_ACC = 10112
BN_SCALE = 1.0 / math.sqrt(1.0 + 1e-5)

ROW_BLK = 2000


def _segsum_partials(y, src2d, dst2d, zeros_acc):
    mesh = plsc.VectorSubcoreMesh(core_axis_name="c", subcore_axis_name="s",
                                  num_cores=NUM_CORES,
                                  num_subcores=NUM_SUBCORES)

    @functools.partial(
        pl.kernel,
        out_type=jax.ShapeDtypeStruct((NUM_CORES, N_NODES, D_H), jnp.float32),
        mesh=mesh,
        scratch_types=[
            pltpu.VMEM((T_MAX, ROWS_PER_XFER), jnp.int32),
            pltpu.VMEM((T_MAX, ROWS_PER_XFER), jnp.int32),
            [pltpu.VMEM((ROWS_PER_XFER, D_H), jnp.float32)] * NBUF,
            pltpu.VMEM_SHARED((N_ACC, D_H), jnp.float32),
            [pltpu.SemaphoreType.DMA] * NBUF,
            [pltpu.SemaphoreType.DMA] * NBUF,
            pltpu.SemaphoreType.DMA,
        ],
    )
    def seg_kernel(y_hbm, src_hbm, dst_hbm, zero_hbm, out_hbm,
                   src_v, dst_v, bufs, acc_sh, gsem, ssem, stage_sem):
        c = lax.axis_index("c")
        s = lax.axis_index("s")
        base = jnp.where(c == 0, s * T0, ROWS0 + s * T1)
        T_loc = jnp.where(c == 0, T0, T1)

        zrows = N_ACC // NUM_SUBCORES
        pltpu.async_copy(zero_hbm.at[pl.ds(s * zrows, zrows)],
                         acc_sh.at[pl.ds(s * zrows, zrows)], stage_sem)
        pltpu.async_copy(src_hbm.at[pl.ds(base, T_MAX)], src_v, stage_sem)
        pltpu.async_copy(dst_hbm.at[pl.ds(base, T_MAX)], dst_v, stage_sem)
        pltpu.make_async_copy(zero_hbm.at[pl.ds(s * zrows, zrows)],
                              acc_sh.at[pl.ds(s * zrows, zrows)],
                              stage_sem).wait()
        pltpu.make_async_copy(src_hbm.at[pl.ds(base, T_MAX)], src_v,
                              stage_sem).wait()
        pltpu.make_async_copy(dst_hbm.at[pl.ds(base, T_MAX)], dst_v,
                              stage_sem).wait()
        plsc.subcore_barrier()

        def fire_gather(idx, b):
            pltpu.async_copy(y_hbm.at[src_v.at[idx]], bufs[b], gsem[b])

        def wait_gather(idx, b):
            pltpu.make_async_copy(y_hbm.at[src_v.at[idx]], bufs[b],
                                  gsem[b]).wait()

        for b in range(LOOKAHEAD):
            fire_gather(b, b)

        @pl.loop(0, T_loc, step=NBUF)
        def _(j):
            for k in range(NBUF):
                b = k
                wait_gather(j + k, b)
                pltpu.async_copy(bufs[b], acc_sh.at[dst_v.at[j + k]],
                                 ssem[b], add=True)
                nxt = j + k + LOOKAHEAD
                b2 = (k + LOOKAHEAD) % NBUF

                @pl.when(nxt < T_loc)
                def _():
                    @pl.when(nxt >= NBUF)
                    def _():
                        pltpu.make_async_copy(
                            bufs[b2], acc_sh.at[dst_v.at[0]], ssem[b2]
                        ).wait()
                    fire_gather(nxt, b2)

        for b in range(NBUF):
            pltpu.make_async_copy(
                bufs[b], acc_sh.at[dst_v.at[0]], ssem[b]).wait()

        plsc.subcore_barrier()
        orows = N_ACC // NUM_SUBCORES

        @pl.when(s < NUM_SUBCORES - 1)
        def _():
            pltpu.sync_copy(acc_sh.at[pl.ds(s * orows, orows)],
                            out_hbm.at[c, pl.ds(s * orows, orows)])

        @pl.when(s == NUM_SUBCORES - 1)
        def _():
            last = N_NODES - (NUM_SUBCORES - 1) * orows
            pltpu.sync_copy(
                acc_sh.at[pl.ds((NUM_SUBCORES - 1) * orows, last)],
                out_hbm.at[c, pl.ds((NUM_SUBCORES - 1) * orows, last)])

    return seg_kernel(y, src2d, dst2d, zeros_acc)


def _matmul_in(x, w):

    def body(x_ref, w_ref, o_ref):
        o_ref[...] = jnp.dot(x_ref[...], w_ref[...],
                             preferred_element_type=jnp.float32)

    return pl.pallas_call(
        body,
        grid=(N_NODES // ROW_BLK,),
        in_specs=[
            pl.BlockSpec((ROW_BLK, D_IN), lambda i: (i, 0)),
            pl.BlockSpec((D_IN, D_H), lambda i: (0, 0)),
        ],
        out_specs=pl.BlockSpec((ROW_BLK, D_H), lambda i: (i, 0)),
        out_shape=jax.ShapeDtypeStruct((N_NODES, D_H), jnp.float32),
    )(x, w)


def _layer1_post(y, parts, ba, g, bt, Wb, bb):

    def body(y_ref, p_ref, ba_ref, g_ref, bt_ref, wb_ref, bb_ref, o_ref):
        t = y_ref[...] + p_ref[0] + p_ref[1] + ba_ref[...]
        t = t * (g_ref[...] * BN_SCALE) + bt_ref[...]
        t = jnp.maximum(t, 0.0)
        h = jnp.dot(t, wb_ref[...], preferred_element_type=jnp.float32)
        o_ref[...] = jnp.maximum(h + bb_ref[...], 0.0)

    vec = lambda: pl.BlockSpec((1, D_H), lambda i: (0, 0))
    return pl.pallas_call(
        body,
        grid=(N_NODES // ROW_BLK,),
        in_specs=[
            pl.BlockSpec((ROW_BLK, D_H), lambda i: (i, 0)),
            pl.BlockSpec((NUM_CORES, ROW_BLK, D_H), lambda i: (0, i, 0)),
            vec(), vec(), vec(),
            pl.BlockSpec((D_H, D_H), lambda i: (0, 0)),
            vec(),
        ],
        out_specs=pl.BlockSpec((ROW_BLK, D_H), lambda i: (i, 0)),
        out_shape=jax.ShapeDtypeStruct((N_NODES, D_H), jnp.float32),
    )(y, parts, ba, g, bt, Wb, bb)


def _layer2_out(h1, parts, Wa, ba, g, bt, Wb, bb, Wl_pad, bl_pad):

    def body(h_ref, p_ref, wa_ref, ba_ref, g_ref, bt_ref, wb_ref, bb_ref,
             wl_ref, bl_ref, o_ref):
        t = h_ref[...] + p_ref[0] + p_ref[1]
        t = jnp.dot(t, wa_ref[...], preferred_element_type=jnp.float32)
        t = (t + ba_ref[...]) * (g_ref[...] * BN_SCALE) + bt_ref[...]
        t = jnp.maximum(t, 0.0)
        t = jnp.dot(t, wb_ref[...], preferred_element_type=jnp.float32)
        t = jnp.maximum(t + bb_ref[...], 0.0)
        o = jnp.dot(t, wl_ref[...], preferred_element_type=jnp.float32)
        o_ref[...] = o + bl_ref[...]

    vec = lambda: pl.BlockSpec((1, D_H), lambda i: (0, 0))
    mat = lambda: pl.BlockSpec((D_H, D_H), lambda i: (0, 0))
    return pl.pallas_call(
        body,
        grid=(N_NODES // ROW_BLK,),
        in_specs=[
            pl.BlockSpec((ROW_BLK, D_H), lambda i: (i, 0)),
            pl.BlockSpec((NUM_CORES, ROW_BLK, D_H), lambda i: (0, i, 0)),
            mat(), vec(), vec(), vec(),
            mat(), vec(),
            mat(), vec(),
        ],
        out_specs=pl.BlockSpec((ROW_BLK, D_H), lambda i: (i, 0)),
        out_shape=jax.ShapeDtypeStruct((N_NODES, D_H), jnp.float32),
    )(h1, parts, Wa, ba, g, bt, Wb, bb, Wl_pad, bl_pad)


def kernel(x, edge_index, W1a, b1a, g1, bt1, W1b, b1b,
           W2a, b2a, g2, bt2, W2b, b2b, Wl, bl):
    src = edge_index[0].astype(jnp.int32)
    dst = edge_index[1].astype(jnp.int32)
    pad = E_PAD - N_EDGES
    src2d = jnp.concatenate(
        [src, jnp.zeros((pad,), jnp.int32)]).reshape(-1, ROWS_PER_XFER)
    dst2d = jnp.concatenate(
        [dst, jnp.full((pad,), N_NODES, jnp.int32)]).reshape(-1, ROWS_PER_XFER)
    zeros_acc = jnp.zeros((N_ACC, D_H), jnp.float32)

    r = lambda v: v.reshape(1, D_H)
    Wl_pad = jnp.zeros((D_H, D_H), jnp.float32).at[:, :Wl.shape[1]].set(Wl)
    bl_pad = jnp.zeros((1, D_H), jnp.float32).at[0, :bl.shape[0]].set(bl)

    y1 = _matmul_in(x, W1a)
    p1 = _segsum_partials(y1, src2d, dst2d, zeros_acc)
    h1 = _layer1_post(y1, p1, r(b1a), r(g1), r(bt1), W1b, r(b1b))
    p2 = _segsum_partials(h1, src2d, dst2d, zeros_acc)
    out128 = _layer2_out(h1, p2, W2a, r(b2a), r(g2), r(bt2),
                         W2b, r(b2b), Wl_pad, bl_pad)
    return out128[:, :Wl.shape[1]]

# --- scband reference (transcript-rebuilt; emitter-appended) ---
"""Pipeline reference for scband-gin-1408749273893 (READ-ONLY COPY).

The authoritative reference and input builder live on the scoring server;
editing this copy changes nothing except your own understanding.
"""

import jax, jax.numpy as jnp
import numpy as np

N = 10000
E = 160000
D_IN = 768
D_H = 128


def setup_inputs(seed: int = 0) -> dict:
    key = jax.random.key(seed)
    ks = jax.random.split(key, 16)
    inp = {}
    inp["x"] = jax.random.normal(ks[0], (N, D_IN), dtype=jnp.float32)
    inp["edge_index"] = jax.random.randint(ks[1], (2, E), 0, N)
    # conv1 MLP: Linear(768->128), BN(128), ReLU, Linear(128->128), ReLU
    inp["W1a"] = jax.random.normal(ks[2], (D_IN, D_H), dtype=jnp.float32) / np.sqrt(D_IN)
    inp["b1a"] = jnp.zeros((D_H,), dtype=jnp.float32)
    inp["g1"] = jnp.ones((D_H,), dtype=jnp.float32)
    inp["bt1"] = jnp.zeros((D_H,), dtype=jnp.float32)
    inp["W1b"] = jax.random.normal(ks[3], (D_H, D_H), dtype=jnp.float32) / np.sqrt(D_H)
    inp["b1b"] = jnp.zeros((D_H,), dtype=jnp.float32)
    # conv2 MLP: Linear(128->128), BN(128), ReLU, Linear(128->128), ReLU
    inp["W2a"] = jax.random.normal(ks[4], (D_H, D_H), dtype=jnp.float32) / np.sqrt(D_H)
    inp["b2a"] = jnp.zeros((D_H,), dtype=jnp.float32)
    inp["g2"] = jnp.ones((D_H,), dtype=jnp.float32)
    inp["bt2"] = jnp.zeros((D_H,), dtype=jnp.float32)
    inp["W2b"] = jax.random.normal(ks[5], (D_H, D_H), dtype=jnp.float32) / np.sqrt(D_H)
    inp["b2b"] = jnp.zeros((D_H,), dtype=jnp.float32)
    # lin2: Linear(128->2)
    inp["Wl"] = jax.random.normal(ks[6], (D_H, 2), dtype=jnp.float32) / np.sqrt(D_H)
    inp["bl"] = jnp.zeros((2,), dtype=jnp.float32)
    return inp


def _bn_eval(h, gamma, beta):
    # BatchNorm1d in eval mode with default running stats (mean=0, var=1)
    return (h - 0.0) / jnp.sqrt(1.0 + 1e-5) * gamma + beta


def _gin_conv(x, edge_index, Wa, ba, gamma, beta, Wb, bb):
    src = edge_index[0]
    dst = edge_index[1]
    # message = x[src], aggregate = sum into dst  (SparseCore gather + scatter-add)
    agg = jax.ops.segment_sum(x[src], dst, num_segments=x.shape[0])
    h = x + agg  # (1 + eps) * x + agg, eps = 0 (GINConv default)
    h = h @ Wa + ba
    h = _bn_eval(h, gamma, beta)
    h = jax.nn.relu(h)
    h = h @ Wb + bb
    h = jax.nn.relu(h)
    return h


def reference(x, edge_index, W1a, b1a, g1, bt1, W1b, b1b, W2a, b2a, g2, bt2, W2b, b2b, Wl, bl):
    h1 = _gin_conv(x, edge_index, W1a, b1a, g1, bt1, W1b, b1b)
    h2 = _gin_conv(h1, edge_index, W2a, b2a, g2, bt2, W2b, b2b)
    h = h2 @ Wl + bl
    # dropout is identity in eval mode
    return h

if __name__ == "__main__":
    import jax
    _d = setup_inputs()
    print(jax.jit(kernel)(*tuple(_d.values())))

</pallas_src>

<mosaic_0001>
#map = affine_map<(d0, d1) -> (0, 0)>
#map1 = affine_map<(d0, d1) -> (0, 0, 0)>
module attributes {stable_mosaic.version = 14 : i64} {
  func.func @seg_kernel(%arg0: i32, %arg1: i32, %arg2: memref<10000x128xf32, #tpu.memory_space<hbm>>, %arg3: memref<1280x128xi32, #tpu.memory_space<hbm>>, %arg4: memref<1280x128xi32, #tpu.memory_space<hbm>>, %arg5: memref<10112x128xf32, #tpu.memory_space<hbm>>, %arg6: memref<2x10000x128xf32, #tpu.memory_space<hbm>>, %arg7: memref<40x128xi32, #tpu.memory_space<vmem>>, %arg8: memref<40x128xi32, #tpu.memory_space<vmem>>, %arg9: memref<128x128xf32, #tpu.memory_space<vmem>>, %arg10: memref<128x128xf32, #tpu.memory_space<vmem>>, %arg11: memref<10112x128xf32, #tpu.memory_space<vmem_shared>>, %arg12: memref<!tpu.dma_semaphore, #tpu.memory_space<semaphore_mem>>, %arg13: memref<!tpu.dma_semaphore, #tpu.memory_space<semaphore_mem>>, %arg14: memref<!tpu.dma_semaphore, #tpu.memory_space<semaphore_mem>>, %arg15: memref<!tpu.dma_semaphore, #tpu.memory_space<semaphore_mem>>, %arg16: memref<!tpu.dma_semaphore, #tpu.memory_space<semaphore_mem>>) attributes {dimension_semantics = [#tpu.dimension_semantics<core_parallel>, #tpu.dimension_semantics<subcore_parallel>], iteration_bounds = array<i64: 2, 16>, scalar_prefetch = 0 : i64, scratch_operands = 10 : i64, tpu.core_type = #tpu.core_type<sc_vector_subcore>, window_params = [{transform_indices = #map}, {transform_indices = #map}, {transform_indices = #map}, {transform_indices = #map}, {transform_indices = #map1}]} {
    %eq3A = arith.constant 0 : i32
    %eq3A_0 = arith.cmpi eq, %arg0, %eq3A : i32
    %mul3A = arith.constant 40 : i32
    %mul3A_1 = arith.muli %arg1, %mul3A : i32
    %mul3A_2 = arith.constant 40 : i32
    %mul3A_3 = arith.muli %arg1, %mul3A_2 : i32
    %add3A = arith.constant 640 : i32
    %add3A_4 = arith.addi %add3A, %mul3A_3 : i32
    %select_n3A = arith.select %eq3A_0, %mul3A_1, %add3A_4 : i32
    %eq3A_5 = arith.constant 0 : i32
    %eq3A_6 = arith.cmpi eq, %arg0, %eq3A_5 : i32
    %jit3A = arith.constant 40 : i32
    %jit3A_7 = arith.constant 40 : i32
    %select_n3A_8 = arith.select %eq3A_6, %jit3A, %jit3A_7 : i32
    %mul3A_9 = arith.constant 632 : i32
    %mul3A_10 = arith.muli %arg1, %mul3A_9 : i32
    %mul3A_11 = arith.constant 632 : i32
    %mul3A_12 = arith.muli %arg1, %mul3A_11 : i32
    %dma_start3A = arith.constant 0 : i32
    %dma_start3A_13 = tpu.memref_slice %arg11[%mul3A_12, %dma_start3A] : memref<10112x128xf32, #tpu.memory_space<vmem_shared>> -> memref<632x128xf32, #tpu.memory_space<vmem_shared>>
    %dma_start3A_14 = arith.constant 0 : i32
    %dma_start3A_15 = tpu.memref_slice %arg5[%mul3A_10, %dma_start3A_14] : memref<10112x128xf32, #tpu.memory_space<hbm>> -> memref<632x128xf32, #tpu.memory_space<hbm>>
    tpu.enqueue_dma source(%dma_start3A_15 : memref<632x128xf32, #tpu.memory_space<hbm>>) target(%dma_start3A_13 : memref<632x128xf32, #tpu.memory_space<vmem_shared>>) target_semaphore(%arg16 : memref<!tpu.dma_semaphore, #tpu.memory_space<semaphore_mem>>)
    %dma_start3A_16 = arith.constant 0 : i32
    %dma_start3A_17 = tpu.memref_slice %arg3[%select_n3A, %dma_start3A_16] : memref<1280x128xi32, #tpu.memory_space<hbm>> -> memref<40x128xi32, #tpu.memory_space<hbm>>
    %dma_start3A_18 = arith.constant 0 : i32
    %dma_start3A_19 = tpu.memref_slice %arg3[%select_n3A, %dma_start3A_18] : memref<1280x128xi32, #tpu.memory_space<hbm>> -> memref<40x128xi32, #tpu.memory_space<hbm>>
    tpu.enqueue_dma source(%dma_start3A_19 : memref<40x128xi32, #tpu.memory_space<hbm>>) target(%arg7 : memref<40x128xi32, #tpu.memory_space<vmem>>) target_semaphore(%arg16 : memref<!tpu.dma_semaphore, #tpu.memory_space<semaphore_mem>>)
    %dma_start3A_20 = arith.constant 0 : i32
    %dma_start3A_21 = tpu.memref_slice %arg4[%select_n3A, %dma_start3A_20] : memref<1280x128xi32, #tpu.memory_space<hbm>> -> memref<40x128xi32, #tpu.memory_space<hbm>>
    %dma_start3A_22 = arith.constant 0 : i32
    %dma_start3A_23 = tpu.memref_slice %arg4[%select_n3A, %dma_start3A_22] : memref<1280x128xi32, #tpu.memory_space<hbm>> -> memref<40x128xi32, #tpu.memory_space<hbm>>
    tpu.enqueue_dma source(%dma_start3A_23 : memref<40x128xi32, #tpu.memory_space<hbm>>) target(%arg8 : memref<40x128xi32, #tpu.memory_space<vmem>>) target_semaphore(%arg16 : memref<!tpu.dma_semaphore, #tpu.memory_space<semaphore_mem>>)
    %mul3A_24 = arith.constant 632 : i32
    %mul3A_25 = arith.muli %arg1, %mul3A_24 : i32
    %mul3A_26 = arith.constant 632 : i32
    %mul3A_27 = arith.muli %arg1, %mul3A_26 : i32
    %dma_wait3A = arith.constant 0 : i32
    %dma_wait3A_28 = tpu.memref_slice %arg11[%mul3A_27, %dma_wait3A] : memref<10112x128xf32, #tpu.memory_space<vmem_shared>> -> memref<632x128xf32, #tpu.memory_space<vmem_shared>>
    %dma_wait3A_29 = arith.constant 0 : i32
    %dma_wait3A_30 = tpu.memref_slice %arg5[%mul3A_25, %dma_wait3A_29] : memref<10112x128xf32, #tpu.memory_space<hbm>> -> memref<632x128xf32, #tpu.memory_space<hbm>>
    tpu.wait_dma2 semaphore(%arg16 : memref<!tpu.dma_semaphore, #tpu.memory_space<semaphore_mem>>) src(%dma_wait3A_30 : memref<632x128xf32, #tpu.memory_space<hbm>>) dst(%dma_wait3A_28 : memref<632x128xf32, #tpu.memory_space<vmem_shared>>)
    %dma_wait3A_31 = arith.constant 0 : i32
    %dma_wait3A_32 = tpu.memref_slice %arg3[%select_n3A, %dma_wait3A_31] : memref<1280x128xi32, #tpu.memory_space<hbm>> -> memref<40x128xi32, #tpu.memory_space<hbm>>
    %dma_wait3A_33 = arith.constant 0 : i32
    %dma_wait3A_34 = tpu.memref_slice %arg3[%select_n3A, %dma_wait3A_33] : memref<1280x128xi32, #tpu.memory_space<hbm>> -> memref<40x128xi32, #tpu.memory_space<hbm>>
    tpu.wait_dma2 semaphore(%arg16 : memref<!tpu.dma_semaphore, #tpu.memory_space<semaphore_mem>>) src(%dma_wait3A_34 : memref<40x128xi32, #tpu.memory_space<hbm>>) dst(%arg7 : memref<40x128xi32, #tpu.memory_space<vmem>>)
    %dma_wait3A_35 = arith.constant 0 : i32
    %dma_wait3A_36 = tpu.memref_slice %arg4[%select_n3A, %dma_wait3A_35] : memref<1280x128xi32, #tpu.memory_space<hbm>> -> memref<40x128xi32, #tpu.memory_space<hbm>>
    %dma_wait3A_37 = arith.constant 0 : i32
    %dma_wait3A_38 = tpu.memref_slice %arg4[%select_n3A, %dma_wait3A_37] : memref<1280x128xi32, #tpu.memory_space<hbm>> -> memref<40x128xi32, #tpu.memory_space<hbm>>
    tpu.wait_dma2 semaphore(%arg16 : memref<!tpu.dma_semaphore, #tpu.memory_space<semaphore_mem>>) src(%dma_wait3A_38 : memref<40x128xi32, #tpu.memory_space<hbm>>) dst(%arg8 : memref<40x128xi32, #tpu.memory_space<vmem>>)
    %barrier3A = arith.constant 0 : index
    tpu.barrier barrier_id(%barrier3A)
    %dma_start3A_39 = arith.constant 0 : i32
    %dma_start3A_40 = arith.constant 0 : i32
    %dma_start3A_41 = tpu.memref_slice %arg7[%dma_start3A_39, %dma_start3A_40] : memref<40x128xi32, #tpu.memory_space<vmem>> -> memref<1x128xi32, #tpu.memory_space<vmem>>
    %dma_start3A_42 = tpu.memref_squeeze %dma_start3A_41 : memref<1x128xi32, #tpu.memory_space<vmem>> -> memref<128xi32, #tpu.memory_space<vmem>>
    %dma_start3A_43 = arith.constant 0 : i32
    %dma_start3A_44 = arith.constant 0 : i32
    %dma_start3A_45 = tpu.memref_slice %arg2[%dma_start3A_43, %dma_start3A_44] : memref<10000x128xf32, #tpu.memory_space<hbm>> -> memref<10000x128xf32, #tpu.memory_space<hbm>>
    tpu.enqueue_indirect_dma source(%dma_start3A_45 : memref<10000x128xf32, #tpu.memory_space<hbm>>) target(%arg9 : memref<128x128xf32, #tpu.memory_space<vmem>>) offsets(%dma_start3A_42 : memref<128xi32, #tpu.memory_space<vmem>>) semaphore(%arg12 : memref<!tpu.dma_semaphore, #tpu.memory_space<semaphore_mem>>)
    %sub3A = arith.constant 0 : i32
    %sub3A_46 = arith.subi %select_n3A_8, %sub3A : i32
    %sub3A_47 = arith.constant 2 : i32
    %sub3A_48 = arith.constant 1 : i32
    %sub3A_49 = arith.subi %sub3A_47, %sub3A_48 : i32
    %add3A_50 = arith.addi %sub3A_46, %sub3A_49 : i32
    %div3A = arith.constant 2 : i32
    %div3A_51 = arith.divsi %add3A_50, %div3A : i32
    %while3A = arith.constant 2 : i32
    %while3A_52 = arith.constant 0 : i32
    %while3A_53 = arith.constant 0 : i32
    %while3A_54 = arith.subi %div3A_51, %while3A_53 : i32
    %while3A_55 = arith.addi %while3A_53, %while3A_54 : i32
    %while3A_56 = arith.constant 1 : i32
    %while3A_57 = arith.divsi %while3A_54, %while3A_56 : i32
    %while3A_58 = arith.muli %while3A_57, %while3A_56 : i32
    %while3A_59 = arith.addi %while3A_53, %while3A_58 : i32
    %while3A_60 = arith.constant 1 : i32
    scf.for %while3A_84 = %while3A_53 to %while3A_59 step %while3A_60  : i32 {
      %mul3A_85 = arith.muli %while3A_84, %while3A : i32
      %add3A_86 = arith.addi %while3A_52, %mul3A_85 : i32
      %add3A_87 = arith.constant 0 : i32
      %add3A_88 = arith.addi %add3A_86, %add3A_87 : i32
      %dma_wait3A_89 = arith.constant 0 : i32
      %dma_wait3A_90 = tpu.memref_slice %arg7[%add3A_88, %dma_wait3A_89] : memref<40x128xi32, #tpu.memory_space<vmem>> -> memref<1x128xi32, #tpu.memory_space<vmem>>
      %dma_wait3A_91 = tpu.memref_squeeze %dma_wait3A_90 : memref<1x128xi32, #tpu.memory_space<vmem>> -> memref<128xi32, #tpu.memory_space<vmem>>
      %dma_wait3A_92 = arith.constant 0 : i32
      %dma_wait3A_93 = arith.constant 0 : i32
      %dma_wait3A_94 = tpu.memref_slice %arg2[%dma_wait3A_92, %dma_wait3A_93] : memref<10000x128xf32, #tpu.memory_space<hbm>> -> memref<10000x128xf32, #tpu.memory_space<hbm>>
      tpu.wait_indirect_dma semaphore(%arg12 : memref<!tpu.dma_semaphore, #tpu.memory_space<semaphore_mem>>) src(%dma_wait3A_94 : memref<10000x128xf32, #tpu.memory_space<hbm>>) dst(%arg9 : memref<128x128xf32, #tpu.memory_space<vmem>>)
      %add3A_95 = arith.constant 0 : i32
      %add3A_96 = arith.addi %add3A_86, %add3A_95 : i32
      %dma_start3A_97 = arith.constant 0 : i32
      %dma_start3A_98 = tpu.memref_slice %arg8[%add3A_96, %dma_start3A_97] : memref<40x128xi32, #tpu.memory_space<vmem>> -> memref<1x128xi32, #tpu.memory_space<vmem>>
      %dma_start3A_99 = tpu.memref_squeeze %dma_start3A_98 : memref<1x128xi32, #tpu.memory_space<vmem>> -> memref<128xi32, #tpu.memory_space<vmem>>
      %dma_start3A_100 = arith.constant 0 : i32
      %dma_start3A_101 = arith.constant 0 : i32
      %dma_start3A_102 = tpu.memref_slice %arg11[%dma_start3A_100, %dma_start3A_101] : memref<10112x128xf32, #tpu.memory_space<vmem_shared>> -> memref<10112x128xf32, #tpu.memory_space<vmem_shared>>
      tpu.enqueue_indirect_dma source(%arg9 : memref<128x128xf32, #tpu.memory_space<vmem>>) target(%dma_start3A_102 : memref<10112x128xf32, #tpu.memory_space<vmem_shared>>) offsets(%dma_start3A_99 : memref<128xi32, #tpu.memory_space<vmem>>) semaphore(%arg14 : memref<!tpu.dma_semaphore, #tpu.memory_space<semaphore_mem>>) {add = true}
      %add3A_103 = arith.constant 0 : i32
      %add3A_104 = arith.addi %add3A_86, %add3A_103 : i32
      %add3A_105 = arith.constant 1 : i32
      %add3A_106 = arith.addi %add3A_104, %add3A_105 : i32
      %lt3A_107 = arith.cmpi slt, %add3A_106, %select_n3A_8 : i32
      %convert_element_type3A_108 = arith.extui %lt3A_107 : i1 to i32
      %cond3A_109 = arith.constant 0 : i32
      %cond3A_110 = arith.cmpi ne, %convert_element_type3A_108, %cond3A_109 : i32
      scf.if %cond3A_110 {
        %ge3A = arith.constant 2 : i32
        %ge3A_135 = arith.cmpi sge, %add3A_106, %ge3A : i32
        %convert_element_type3A_136 = arith.extui %ge3A_135 : i1 to i32
        %cond3A_137 = arith.constant 0 : i32
        %cond3A_138 = arith.cmpi ne, %convert_element_type3A_136, %cond3A_137 : i32
        scf.if %cond3A_138 {
          %dma_wait3A_145 = arith.constant 0 : i32
          %dma_wait3A_146 = arith.constant 0 : i32
          %dma_wait3A_147 = tpu.memref_slice %arg8[%dma_wait3A_145, %dma_wait3A_146] : memref<40x128xi32, #tpu.memory_space<vmem>> -> memref<1x128xi32, #tpu.memory_space<vmem>>
          %dma_wait3A_148 = tpu.memref_squeeze %dma_wait3A_147 : memref<1x128xi32, #tpu.memory_space<vmem>> -> memref<128xi32, #tpu.memory_space<vmem>>
          %dma_wait3A_149 = arith.constant 0 : i32
          %dma_wait3A_150 = arith.constant 0 : i32
          %dma_wait3A_151 = tpu.memref_slice %arg11[%dma_wait3A_149, %dma_wait3A_150] : memref<10112x128xf32, #tpu.memory_space<vmem_shared>> -> memref<10112x128xf32, #tpu.memory_space<vmem_shared>>
          tpu.wait_indirect_dma semaphore(%arg15 : memref<!tpu.dma_semaphore, #tpu.memory_space<semaphore_mem>>) src(%arg10 : memref<128x128xf32, #tpu.memory_space<vmem>>) dst(%dma_wait3A_151 : memref<10112x128xf32, #tpu.memory_space<vmem_shared>>)
        } else {
        }
        %dma_start3A_139 = arith.constant 0 : i32
        %dma_start3A_140 = tpu.memref_slice %arg7[%add3A_106, %dma_start3A_139] : memref<40x128xi32, #tpu.memory_space<vmem>> -> memref<1x128xi32, #tpu.memory_space<vmem>>
        %dma_start3A_141 = tpu.memref_squeeze %dma_start3A_140 : memref<1x128xi32, #tpu.memory_space<vmem>> -> memref<128xi32, #tpu.memory_space<vmem>>
        %dma_start3A_142 = arith.constant 0 : i32
        %dma_start3A_143 = arith.constant 0 : i32
        %dma_start3A_144 = tpu.memref_slice %arg2[%dma_start3A_142, %dma_start3A_143] : memref<10000x128xf32, #tpu.memory_space<hbm>> -> memref<10000x128xf32, #tpu.memory_space<hbm>>
        tpu.enqueue_indirect_dma source(%dma_start3A_144 : memref<10000x128xf32, #tpu.memory_space<hbm>>) target(%arg10 : memref<128x128xf32, #tpu.memory_space<vmem>>) offsets(%dma_start3A_141 : memref<128xi32, #tpu.memory_space<vmem>>) semaphore(%arg13 : memref<!tpu.dma_semaphore, #tpu.memory_space<semaphore_mem>>)
      } else {
      }
      %add3A_111 = arith.constant 1 : i32
      %add3A_112 = arith.addi %add3A_86, %add3A_111 : i32
      %dma_wait3A_113 = arith.constant 0 : i32
      %dma_wait3A_114 = tpu.memref_slice %arg7[%add3A_112, %dma_wait3A_113] : memref<40x128xi32, #tpu.memory_space<vmem>> -> memref<1x128xi32, #tpu.memory_space<vmem>>
      %dma_wait3A_115 = tpu.memref_squeeze %dma_wait3A_114 : memref<1x128xi32, #tpu.memory_space<vmem>> -> memref<128xi32, #tpu.memory_space<vmem>>
      %dma_wait3A_116 = arith.constant 0 : i32
      %dma_wait3A_117 = arith.constant 0 : i32
      %dma_wait3A_118 = tpu.memref_slice %arg2[%dma_wait3A_116, %dma_wait3A_117] : memref<10000x128xf32, #tpu.memory_space<hbm>> -> memref<10000x128xf32, #tpu.memory_space<hbm>>
      tpu.wait_indirect_dma semaphore(%arg13 : memref<!tpu.dma_semaphore, #tpu.memory_space<semaphore_mem>>) src(%dma_wait3A_118 : memref<10000x128xf32, #tpu.memory_space<hbm>>) dst(%arg10 : memref<128x128xf32, #tpu.memory_space<vmem>>)
      %add3A_119 = arith.constant 1 : i32
      %add3A_120 = arith.addi %add3A_86, %add3A_119 : i32
      %dma_start3A_121 = arith.constant 0 : i32
      %dma_start3A_122 = tpu.memref_slice %arg8[%add3A_120, %dma_start3A_121] : memref<40x128xi32, #tpu.memory_space<vmem>> -> memref<1x128xi32, #tpu.memory_space<vmem>>
      %dma_start3A_123 = tpu.memref_squeeze %dma_start3A_122 : memref<1x128xi32, #tpu.memory_space<vmem>> -> memref<128xi32, #tpu.memory_space<vmem>>
      %dma_start3A_124 = arith.constant 0 : i32
      %dma_start3A_125 = arith.constant 0 : i32
      %dma_start3A_126 = tpu.memref_slice %arg11[%dma_start3A_124, %dma_start3A_125] : memref<10112x128xf32, #tpu.memory_space<vmem_shared>> -> memref<10112x128xf32, #tpu.memory_space<vmem_shared>>
      tpu.enqueue_indirect_dma source(%arg10 : memref<128x128xf32, #tpu.memory_space<vmem>>) target(%dma_start3A_126 : memref<10112x128xf32, #tpu.memory_space<vmem_shared>>) offsets(%dma_start3A_123 : memref<128xi32, #tpu.memory_space<vmem>>) semaphore(%arg15 : memref<!tpu.dma_semaphore, #tpu.memory_space<semaphore_mem>>) {add = true}
      %add3A_127 = arith.constant 1 : i32
      %add3A_128 = arith.addi %add3A_86, %add3A_127 : i32
      %add3A_129 = arith.constant 1 : i32
      %add3A_130 = arith.addi %add3A_128, %add3A_129 : i32
      %lt3A_131 = arith.cmpi slt, %add3A_130, %select_n3A_8 : i32
      %convert_element_type3A_132 = arith.extui %lt3A_131 : i1 to i32
      %cond3A_133 = arith.constant 0 : i32
      %cond3A_134 = arith.cmpi ne, %convert_element_type3A_132, %cond3A_133 : i32
      scf.if %cond3A_134 {
        %ge3A = arith.constant 2 : i32
        %ge3A_135 = arith.cmpi sge, %add3A_130, %ge3A : i32
        %convert_element_type3A_136 = arith.extui %ge3A_135 : i1 to i32
        %cond3A_137 = arith.constant 0 : i32
        %cond3A_138 = arith.cmpi ne, %convert_element_type3A_136, %cond3A_137 : i32
        scf.if %cond3A_138 {
          %dma_wait3A_145 = arith.constant 0 : i32
          %dma_wait3A_146 = arith.constant 0 : i32
          %dma_wait3A_147 = tpu.memref_slice %arg8[%dma_wait3A_145, %dma_wait3A_146] : memref<40x128xi32, #tpu.memory_space<vmem>> -> memref<1x128xi32, #tpu.memory_space<vmem>>
          %dma_wait3A_148 = tpu.memref_squeeze %dma_wait3A_147 : memref<1x128xi32, #tpu.memory_space<vmem>> -> memref<128xi32, #tpu.memory_space<vmem>>
          %dma_wait3A_149 = arith.constant 0 : i32
          %dma_wait3A_150 = arith.constant 0 : i32
          %dma_wait3A_151 = tpu.memref_slice %arg11[%dma_wait3A_149, %dma_wait3A_150] : memref<10112x128xf32, #tpu.memory_space<vmem_shared>> -> memref<10112x128xf32, #tpu.memory_space<vmem_shared>>
          tpu.wait_indirect_dma semaphore(%arg14 : memref<!tpu.dma_semaphore, #tpu.memory_space<semaphore_mem>>) src(%arg9 : memref<128x128xf32, #tpu.memory_space<vmem>>) dst(%dma_wait3A_151 : memref<10112x128xf32, #tpu.memory_space<vmem_shared>>)
        } else {
        }
        %dma_start3A_139 = arith.constant 0 : i32
        %dma_start3A_140 = tpu.memref_slice %arg7[%add3A_130, %dma_start3A_139] : memref<40x128xi32, #tpu.memory_space<vmem>> -> memref<1x128xi32, #tpu.memory_space<vmem>>
        %dma_start3A_141 = tpu.memref_squeeze %dma_start3A_140 : memref<1x128xi32, #tpu.memory_space<vmem>> -> memref<128xi32, #tpu.memory_space<vmem>>
        %dma_start3A_142 = arith.constant 0 : i32
        %dma_start3A_143 = arith.constant 0 : i32
        %dma_start3A_144 = tpu.memref_slice %arg2[%dma_start3A_142, %dma_start3A_143] : memref<10000x128xf32, #tpu.memory_space<hbm>> -> memref<10000x128xf32, #tpu.memory_space<hbm>>
        tpu.enqueue_indirect_dma source(%dma_start3A_144 : memref<10000x128xf32, #tpu.memory_space<hbm>>) target(%arg9 : memref<128x128xf32, #tpu.memory_space<vmem>>) offsets(%dma_start3A_141 : memref<128xi32, #tpu.memory_space<vmem>>) semaphore(%arg12 : memref<!tpu.dma_semaphore, #tpu.memory_space<semaphore_mem>>)
      } else {
      }
    }
    %while3A_61 = arith.constant 1 : i32
    scf.for %while3A_84 = %while3A_59 to %while3A_55 step %while3A_61  : i32 {
      %mul3A_85 = arith.muli %while3A_84, %while3A : i32
      %add3A_86 = arith.addi %while3A_52, %mul3A_85 : i32
      %add3A_87 = arith.constant 0 : i32
      %add3A_88 = arith.addi %add3A_86, %add3A_87 : i32
      %dma_wait3A_89 = arith.constant 0 : i32
      %dma_wait3A_90 = tpu.memref_slice %arg7[%add3A_88, %dma_wait3A_89] : memref<40x128xi32, #tpu.memory_space<vmem>> -> memref<1x128xi32, #tpu.memory_space<vmem>>
      %dma_wait3A_91 = tpu.memref_squeeze %dma_wait3A_90 : memref<1x128xi32, #tpu.memory_space<vmem>> -> memref<128xi32, #tpu.memory_space<vmem>>
      %dma_wait3A_92 = arith.constant 0 : i32
      %dma_wait3A_93 = arith.constant 0 : i32
      %dma_wait3A_94 = tpu.memref_slice %arg2[%dma_wait3A_92, %dma_wait3A_93] : memref<10000x128xf32, #tpu.memory_space<hbm>> -> memref<10000x128xf32, #tpu.memory_space<hbm>>
      tpu.wait_indirect_dma semaphore(%arg12 : memref<!tpu.dma_semaphore, #tpu.memory_space<semaphore_mem>>) src(%dma_wait3A_94 : memref<10000x128xf32, #tpu.memory_space<hbm>>) dst(%arg9 : memref<128x128xf32, #tpu.memory_space<vmem>>)
      %add3A_95 = arith.constant 0 : i32
      %add3A_96 = arith.addi %add3A_86, %add3A_95 : i32
      %dma_start3A_97 = arith.constant 0 : i32
      %dma_start3A_98 = tpu.memref_slice %arg8[%add3A_96, %dma_start3A_97] : memref<40x128xi32, #tpu.memory_space<vmem>> -> memref<1x128xi32, #tpu.memory_space<vmem>>
      %dma_start3A_99 = tpu.memref_squeeze %dma_start3A_98 : memref<1x128xi32, #tpu.memory_space<vmem>> -> memref<128xi32, #tpu.memory_space<vmem>>
      %dma_start3A_100 = arith.constant 0 : i32
      %dma_start3A_101 = arith.constant 0 : i32
      %dma_start3A_102 = tpu.memref_slice %arg11[%dma_start3A_100, %dma_start3A_101] : memref<10112x128xf32, #tpu.memory_space<vmem_shared>> -> memref<10112x128xf32, #tpu.memory_space<vmem_shared>>
      tpu.enqueue_indirect_dma source(%arg9 : memref<128x128xf32, #tpu.memory_space<vmem>>) target(%dma_start3A_102 : memref<10112x128xf32, #tpu.memory_space<vmem_shared>>) offsets(%dma_start3A_99 : memref<128xi32, #tpu.memory_space<vmem>>) semaphore(%arg14 : memref<!tpu.dma_semaphore, #tpu.memory_space<semaphore_mem>>) {add = true}
      %add3A_103 = arith.constant 0 : i32
      %add3A_104 = arith.addi %add3A_86, %add3A_103 : i32
      %add3A_105 = arith.constant 1 : i32
      %add3A_106 = arith.addi %add3A_104, %add3A_105 : i32
      %lt3A_107 = arith.cmpi slt, %add3A_106, %select_n3A_8 : i32
      %convert_element_type3A_108 = arith.extui %lt3A_107 : i1 to i32
      %cond3A_109 = arith.constant 0 : i32
      %cond3A_110 = arith.cmpi ne, %convert_element_type3A_108, %cond3A_109 : i32
      scf.if %cond3A_110 {
        %ge3A = arith.constant 2 : i32
        %ge3A_135 = arith.cmpi sge, %add3A_106, %ge3A : i32
        %convert_element_type3A_136 = arith.extui %ge3A_135 : i1 to i32
        %cond3A_137 = arith.constant 0 : i32
        %cond3A_138 = arith.cmpi ne, %convert_element_type3A_136, %cond3A_137 : i32
        scf.if %cond3A_138 {
          %dma_wait3A_145 = arith.constant 0 : i32
          %dma_wait3A_146 = arith.constant 0 : i32
          %dma_wait3A_147 = tpu.memref_slice %arg8[%dma_wait3A_145, %dma_wait3A_146] : memref<40x128xi32, #tpu.memory_space<vmem>> -> memref<1x128xi32, #tpu.memory_space<vmem>>
          %dma_wait3A_148 = tpu.memref_squeeze %dma_wait3A_147 : memref<1x128xi32, #tpu.memory_space<vmem>> -> memref<128xi32, #tpu.memory_space<vmem>>
          %dma_wait3A_149 = arith.constant 0 : i32
          %dma_wait3A_150 = arith.constant 0 : i32
          %dma_wait3A_151 = tpu.memref_slice %arg11[%dma_wait3A_149, %dma_wait3A_150] : memref<10112x128xf32, #tpu.memory_space<vmem_shared>> -> memref<10112x128xf32, #tpu.memory_space<vmem_shared>>
          tpu.wait_indirect_dma semaphore(%arg15 : memref<!tpu.dma_semaphore, #tpu.memory_space<semaphore_mem>>) src(%arg10 : memref<128x128xf32, #tpu.memory_space<vmem>>) dst(%dma_wait3A_151 : memref<10112x128xf32, #tpu.memory_space<vmem_shared>>)
        } else {
        }
        %dma_start3A_139 = arith.constant 0 : i32
        %dma_start3A_140 = tpu.memref_slice %arg7[%add3A_106, %dma_start3A_139] : memref<40x128xi32, #tpu.memory_space<vmem>> -> memref<1x128xi32, #tpu.memory_space<vmem>>
        %dma_start3A_141 = tpu.memref_squeeze %dma_start3A_140 : memref<1x128xi32, #tpu.memory_space<vmem>> -> memref<128xi32, #tpu.memory_space<vmem>>
        %dma_start3A_142 = arith.constant 0 : i32
        %dma_start3A_143 = arith.constant 0 : i32
        %dma_start3A_144 = tpu.memref_slice %arg2[%dma_start3A_142, %dma_start3A_143] : memref<10000x128xf32, #tpu.memory_space<hbm>> -> memref<10000x128xf32, #tpu.memory_space<hbm>>
        tpu.enqueue_indirect_dma source(%dma_start3A_144 : memref<10000x128xf32, #tpu.memory_space<hbm>>) target(%arg10 : memref<128x128xf32, #tpu.memory_space<vmem>>) offsets(%dma_start3A_141 : memref<128xi32, #tpu.memory_space<vmem>>) semaphore(%arg13 : memref<!tpu.dma_semaphore, #tpu.memory_space<semaphore_mem>>)
      } else {
      }
      %add3A_111 = arith.constant 1 : i32
      %add3A_112 = arith.addi %add3A_86, %add3A_111 : i32
      %dma_wait3A_113 = arith.constant 0 : i32
      %dma_wait3A_114 = tpu.memref_slice %arg7[%add3A_112, %dma_wait3A_113] : memref<40x128xi32, #tpu.memory_space<vmem>> -> memref<1x128xi32, #tpu.memory_space<vmem>>
      %dma_wait3A_115 = tpu.memref_squeeze %dma_wait3A_114 : memref<1x128xi32, #tpu.memory_space<vmem>> -> memref<128xi32, #tpu.memory_space<vmem>>
      %dma_wait3A_116 = arith.constant 0 : i32
      %dma_wait3A_117 = arith.constant 0 : i32
      %dma_wait3A_118 = tpu.memref_slice %arg2[%dma_wait3A_116, %dma_wait3A_117] : memref<10000x128xf32, #tpu.memory_space<hbm>> -> memref<10000x128xf32, #tpu.memory_space<hbm>>
      tpu.wait_indirect_dma semaphore(%arg13 : memref<!tpu.dma_semaphore, #tpu.memory_space<semaphore_mem>>) src(%dma_wait3A_118 : memref<10000x128xf32, #tpu.memory_space<hbm>>) dst(%arg10 : memref<128x128xf32, #tpu.memory_space<vmem>>)
      %add3A_119 = arith.constant 1 : i32
      %add3A_120 = arith.addi %add3A_86, %add3A_119 : i32
      %dma_start3A_121 = arith.constant 0 : i32
      %dma_start3A_122 = tpu.memref_slice %arg8[%add3A_120, %dma_start3A_121] : memref<40x128xi32, #tpu.memory_space<vmem>> -> memref<1x128xi32, #tpu.memory_space<vmem>>
      %dma_start3A_123 = tpu.memref_squeeze %dma_start3A_122 : memref<1x128xi32, #tpu.memory_space<vmem>> -> memref<128xi32, #tpu.memory_space<vmem>>
      %dma_start3A_124 = arith.constant 0 : i32
      %dma_start3A_125 = arith.constant 0 : i32
      %dma_start3A_126 = tpu.memref_slice %arg11[%dma_start3A_124, %dma_start3A_125] : memref<10112x128xf32, #tpu.memory_space<vmem_shared>> -> memref<10112x128xf32, #tpu.memory_space<vmem_shared>>
      tpu.enqueue_indirect_dma source(%arg10 : memref<128x128xf32, #tpu.memory_space<vmem>>) target(%dma_start3A_126 : memref<10112x128xf32, #tpu.memory_space<vmem_shared>>) offsets(%dma_start3A_123 : memref<128xi32, #tpu.memory_space<vmem>>) semaphore(%arg15 : memref<!tpu.dma_semaphore, #tpu.memory_space<semaphore_mem>>) {add = true}
      %add3A_127 = arith.constant 1 : i32
      %add3A_128 = arith.addi %add3A_86, %add3A_127 : i32
      %add3A_129 = arith.constant 1 : i32
      %add3A_130 = arith.addi %add3A_128, %add3A_129 : i32
      %lt3A_131 = arith.cmpi slt, %add3A_130, %select_n3A_8 : i32
      %convert_element_type3A_132 = arith.extui %lt3A_131 : i1 to i32
      %cond3A_133 = arith.constant 0 : i32
      %cond3A_134 = arith.cmpi ne, %convert_element_type3A_132, %cond3A_133 : i32
      scf.if %cond3A_134 {
        %ge3A = arith.constant 2 : i32
        %ge3A_135 = arith.cmpi sge, %add3A_130, %ge3A : i32
        %convert_element_type3A_136 = arith.extui %ge3A_135 : i1 to i32
        %cond3A_137 = arith.constant 0 : i32
        %cond3A_138 = arith.cmpi ne, %convert_element_type3A_136, %cond3A_137 : i32
        scf.if %cond3A_138 {
          %dma_wait3A_145 = arith.constant 0 : i32
          %dma_wait3A_146 = arith.constant 0 : i32
          %dma_wait3A_147 = tpu.memref_slice %arg8[%dma_wait3A_145, %dma_wait3A_146] : memref<40x128xi32, #tpu.memory_space<vmem>> -> memref<1x128xi32, #tpu.memory_space<vmem>>
          %dma_wait3A_148 = tpu.memref_squeeze %dma_wait3A_147 : memref<1x128xi32, #tpu.memory_space<vmem>> -> memref<128xi32, #tpu.memory_space<vmem>>
          %dma_wait3A_149 = arith.constant 0 : i32
          %dma_wait3A_150 = arith.constant 0 : i32
          %dma_wait3A_151 = tpu.memref_slice %arg11[%dma_wait3A_149, %dma_wait3A_150] : memref<10112x128xf32, #tpu.memory_space<vmem_shared>> -> memref<10112x128xf32, #tpu.memory_space<vmem_shared>>
          tpu.wait_indirect_dma semaphore(%arg14 : memref<!tpu.dma_semaphore, #tpu.memory_space<semaphore_mem>>) src(%arg9 : memref<128x128xf32, #tpu.memory_space<vmem>>) dst(%dma_wait3A_151 : memref<10112x128xf32, #tpu.memory_space<vmem_shared>>)
        } else {
        }
        %dma_start3A_139 = arith.constant 0 : i32
        %dma_start3A_140 = tpu.memref_slice %arg7[%add3A_130, %dma_start3A_139] : memref<40x128xi32, #tpu.memory_space<vmem>> -> memref<1x128xi32, #tpu.memory_space<vmem>>
        %dma_start3A_141 = tpu.memref_squeeze %dma_start3A_140 : memref<1x128xi32, #tpu.memory_space<vmem>> -> memref<128xi32, #tpu.memory_space<vmem>>
        %dma_start3A_142 = arith.constant 0 : i32
        %dma_start3A_143 = arith.constant 0 : i32
        %dma_start3A_144 = tpu.memref_slice %arg2[%dma_start3A_142, %dma_start3A_143] : memref<10000x128xf32, #tpu.memory_space<hbm>> -> memref<10000x128xf32, #tpu.memory_space<hbm>>
        tpu.enqueue_indirect_dma source(%dma_start3A_144 : memref<10000x128xf32, #tpu.memory_space<hbm>>) target(%arg9 : memref<128x128xf32, #tpu.memory_space<vmem>>) offsets(%dma_start3A_141 : memref<128xi32, #tpu.memory_space<vmem>>) semaphore(%arg12 : memref<!tpu.dma_semaphore, #tpu.memory_space<semaphore_mem>>)
      } else {
      }
    }
    %dma_wait3A_62 = arith.constant 0 : i32
    %dma_wait3A_63 = arith.constant 0 : i32
    %dma_wait3A_64 = tpu.memref_slice %arg8[%dma_wait3A_62, %dma_wait3A_63] : memref<40x128xi32, #tpu.memory_space<vmem>> -> memref<1x128xi32, #tpu.memory_space<vmem>>
    %dma_wait3A_65 = tpu.memref_squeeze %dma_wait3A_64 : memref<1x128xi32, #tpu.memory_space<vmem>> -> memref<128xi32, #tpu.memory_space<vmem>>
    %dma_wait3A_66 = arith.constant 0 : i32
    %dma_wait3A_67 = arith.constant 0 : i32
    %dma_wait3A_68 = tpu.memref_slice %arg11[%dma_wait3A_66, %dma_wait3A_67] : memref<10112x128xf32, #tpu.memory_space<vmem_shared>> -> memref<10112x128xf32, #tpu.memory_space<vmem_shared>>
    tpu.wait_indirect_dma semaphore(%arg14 : memref<!tpu.dma_semaphore, #tpu.memory_space<semaphore_mem>>) src(%arg9 : memref<128x128xf32, #tpu.memory_space<vmem>>) dst(%dma_wait3A_68 : memref<10112x128xf32, #tpu.memory_space<vmem_shared>>)
    %dma_wait3A_69 = arith.constant 0 : i32
    %dma_wait3A_70 = arith.constant 0 : i32
    %dma_wait3A_71 = tpu.memref_slice %arg8[%dma_wait3A_69, %dma_wait3A_70] : memref<40x128xi32, #tpu.memory_space<vmem>> -> memref<1x128xi32, #tpu.memory_space<vmem>>
    %dma_wait3A_72 = tpu.memref_squeeze %dma_wait3A_71 : memref<1x128xi32, #tpu.memory_space<vmem>> -> memref<128xi32, #tpu.memory_space<vmem>>
    %dma_wait3A_73 = arith.constant 0 : i32
    %dma_wait3A_74 = arith.constant 0 : i32
    %dma_wait3A_75 = tpu.memref_slice %arg11[%dma_wait3A_73, %dma_wait3A_74] : memref<10112x128xf32, #tpu.memory_space<vmem_shared>> -> memref<10112x128xf32, #tpu.memory_space<vmem_shared>>
    tpu.wait_indirect_dma semaphore(%arg15 : memref<!tpu.dma_semaphore, #tpu.memory_space<semaphore_mem>>) src(%arg10 : memref<128x128xf32, #tpu.memory_space<vmem>>) dst(%dma_wait3A_75 : memref<10112x128xf32, #tpu.memory_space<vmem_shared>>)
    %barrier3A_76 = arith.constant 0 : index
    tpu.barrier barrier_id(%barrier3A_76)
    %lt3A = arith.constant 15 : i32
    %lt3A_77 = arith.cmpi slt, %arg1, %lt3A : i32
    %convert_element_type3A = arith.extui %lt3A_77 : i1 to i32
    %cond3A = arith.constant 0 : i32
    %cond3A_78 = arith.cmpi ne, %convert_element_type3A, %cond3A : i32
    scf.if %cond3A_78 {
      %mul3A_84 = arith.constant 632 : i32
      %mul3A_85 = arith.muli %arg1, %mul3A_84 : i32
      %mul3A_86 = arith.constant 632 : i32
      %mul3A_87 = arith.muli %arg1, %mul3A_86 : i32
      "tpu.region"() ({
        %run_scoped3A = tpu.sem_alloc : memref<!tpu.dma_semaphore, #tpu.memory_space<semaphore_mem>>
        %dma_start3A_88 = arith.constant 0 : i32
        %dma_start3A_89 = tpu.memref_slice %arg6[%arg0, %mul3A_87, %dma_start3A_88] : memref<2x10000x128xf32, #tpu.memory_space<hbm>> -> memref<1x632x128xf32, #tpu.memory_space<hbm>>
        %dma_start3A_90 = tpu.memref_squeeze %dma_start3A_89 : memref<1x632x128xf32, #tpu.memory_space<hbm>> -> memref<632x128xf32, #tpu.memory_space<hbm>>
        %dma_start3A_91 = arith.constant 0 : i32
        %dma_start3A_92 = tpu.memref_slice %arg11[%mul3A_85, %dma_start3A_91] : memref<10112x128xf32, #tpu.memory_space<vmem_shared>> -> memref<632x128xf32, #tpu.memory_space<vmem_shared>>
        tpu.enqueue_dma source(%dma_start3A_92 : memref<632x128xf32, #tpu.memory_space<vmem_shared>>) target(%dma_start3A_90 : memref<632x128xf32, #tpu.memory_space<hbm>>) target_semaphore(%run_scoped3A : memref<!tpu.dma_semaphore, #tpu.memory_space<semaphore_mem>>)
        %dma_wait3A_93 = arith.constant 0 : i32
        %dma_wait3A_94 = tpu.memref_slice %arg6[%arg0, %mul3A_87, %dma_wait3A_93] : memref<2x10000x128xf32, #tpu.memory_space<hbm>> -> memref<1x632x128xf32, #tpu.memory_space<hbm>>
        %dma_wait3A_95 = tpu.memref_squeeze %dma_wait3A_94 : memref<1x632x128xf32, #tpu.memory_space<hbm>> -> memref<632x128xf32, #tpu.memory_space<hbm>>
        %dma_wait3A_96 = arith.constant 0 : i32
        %dma_wait3A_97 = tpu.memref_slice %arg11[%mul3A_85, %dma_wait3A_96] : memref<10112x128xf32, #tpu.memory_space<vmem_shared>> -> memref<632x128xf32, #tpu.memory_space<vmem_shared>>
        tpu.wait_dma2 semaphore(%run_scoped3A : memref<!tpu.dma_semaphore, #tpu.memory_space<semaphore_mem>>) src(%dma_wait3A_97 : memref<632x128xf32, #tpu.memory_space<vmem_shared>>) dst(%dma_wait3A_95 : memref<632x128xf32, #tpu.memory_space<hbm>>)
        tpu.yield
      }) : () -> ()
    } else {
    }
    %eq3A_79 = arith.constant 15 : i32
    %eq3A_80 = arith.cmpi eq, %arg1, %eq3A_79 : i32
    %convert_element_type3A_81 = arith.extui %eq3A_80 : i1 to i32
    %cond3A_82 = arith.constant 0 : i32
    %cond3A_83 = arith.cmpi ne, %convert_element_type3A_81, %cond3A_82 : i32
    scf.if %cond3A_83 {
      "tpu.region"() ({
        %run_scoped3A = tpu.sem_alloc : memref<!tpu.dma_semaphore, #tpu.memory_space<semaphore_mem>>
        %dma_start3A_84 = arith.constant 9480 : i32
        %dma_start3A_85 = arith.constant 0 : i32
        %dma_start3A_86 = tpu.memref_slice %arg6[%arg0, %dma_start3A_84, %dma_start3A_85] : memref<2x10000x128xf32, #tpu.memory_space<hbm>> -> memref<1x520x128xf32, #tpu.memory_space<hbm>>
        %dma_start3A_87 = tpu.memref_squeeze %dma_start3A_86 : memref<1x520x128xf32, #tpu.memory_space<hbm>> -> memref<520x128xf32, #tpu.memory_space<hbm>>
        %dma_start3A_88 = arith.constant 9480 : i32
        %dma_start3A_89 = arith.constant 0 : i32
        %dma_start3A_90 = tpu.memref_slice %arg11[%dma_start3A_88, %dma_start3A_89] : memref<10112x128xf32, #tpu.memory_space<vmem_shared>> -> memref<520x128xf32, #tpu.memory_space<vmem_shared>>
        tpu.enqueue_dma source(%dma_start3A_90 : memref<520x128xf32, #tpu.memory_space<vmem_shared>>) target(%dma_start3A_87 : memref<520x128xf32, #tpu.memory_space<hbm>>) target_semaphore(%run_scoped3A : memref<!tpu.dma_semaphore, #tpu.memory_space<semaphore_mem>>)
        %dma_wait3A_91 = arith.constant 9480 : i32
        %dma_wait3A_92 = arith.constant 0 : i32
        %dma_wait3A_93 = tpu.memref_slice %arg6[%arg0, %dma_wait3A_91, %dma_wait3A_92] : memref<2x10000x128xf32, #tpu.memory_space<hbm>> -> memref<1x520x128xf32, #tpu.memory_space<hbm>>
        %dma_wait3A_94 = tpu.memref_squeeze %dma_wait3A_93 : memref<1x520x128xf32, #tpu.memory_space<hbm>> -> memref<520x128xf32, #tpu.memory_space<hbm>>
        %dma_wait3A_95 = arith.constant 9480 : i32
        %dma_wait3A_96 = arith.constant 0 : i32
        %dma_wait3A_97 = tpu.memref_slice %arg11[%dma_wait3A_95, %dma_wait3A_96] : memref<10112x128xf32, #tpu.memory_space<vmem_shared>> -> memref<520x128xf32, #tpu.memory_space<vmem_shared>>
        tpu.wait_dma2 semaphore(%run_scoped3A : memref<!tpu.dma_semaphore, #tpu.memory_space<semaphore_mem>>) src(%dma_wait3A_97 : memref<520x128xf32, #tpu.memory_space<vmem_shared>>) dst(%dma_wait3A_94 : memref<520x128xf32, #tpu.memory_space<hbm>>)
        tpu.yield
      }) : () -> ()
    } else {
    }
    return
  }
}

#map = affine_map<(d0, d1) -> (0, 0)>
#map1 = affine_map<(d0, d1) -> (0, 0, 0)>
module attributes {stable_mosaic.version = 14 : i64} {
  func.func @seg_kernel(%arg0: i32, %arg1: i32, %arg2: memref<10000x128xf32, #tpu.memory_space<hbm>>, %arg3: memref<1280x128xi32, #tpu.memory_space<hbm>>, %arg4: memref<1280x128xi32, #tpu.memory_space<hbm>>, %arg5: memref<10112x128xf32, #tpu.memory_space<hbm>>, %arg6: memref<2x10000x128xf32, #tpu.memory_space<hbm>>, %arg7: memref<40x128xi32, #tpu.memory_space<vmem>>, %arg8: memref<40x128xi32, #tpu.memory_space<vmem>>, %arg9: memref<128x128xf32, #tpu.memory_space<vmem>>, %arg10: memref<128x128xf32, #tpu.memory_space<vmem>>, %arg11: memref<10112x128xf32, #tpu.memory_space<vmem_shared>>, %arg12: memref<!tpu.dma_semaphore, #tpu.memory_space<semaphore_mem>>, %arg13: memref<!tpu.dma_semaphore, #tpu.memory_space<semaphore_mem>>, %arg14: memref<!tpu.dma_semaphore, #tpu.memory_space<semaphore_mem>>, %arg15: memref<!tpu.dma_semaphore, #tpu.memory_space<semaphore_mem>>, %arg16: memref<!tpu.dma_semaphore, #tpu.memory_space<semaphore_mem>>) attributes {dimension_semantics = [#tpu.dimension_semantics<core_parallel>, #tpu.dimension_semantics<subcore_parallel>], iteration_bounds = array<i64: 2, 16>, scalar_prefetch = 0 : i64, scratch_operands = 10 : i64, tpu.core_type = #tpu.core_type<sc_vector_subcore>, window_params = [{transform_indices = #map}, {transform_indices = #map}, {transform_indices = #map}, {transform_indices = #map}, {transform_indices = #map1}]} {
    %eq3A = arith.constant 0 : i32
    %eq3A_0 = arith.cmpi eq, %arg0, %eq3A : i32
    %mul3A = arith.constant 40 : i32
    %mul3A_1 = arith.muli %arg1, %mul3A : i32
    %mul3A_2 = arith.constant 40 : i32
    %mul3A_3 = arith.muli %arg1, %mul3A_2 : i32
    %add3A = arith.constant 640 : i32
    %add3A_4 = arith.addi %add3A, %mul3A_3 : i32
    %select_n3A = arith.select %eq3A_0, %mul3A_1, %add3A_4 : i32
    %eq3A_5 = arith.constant 0 : i32
    %eq3A_6 = arith.cmpi eq, %arg0, %eq3A_5 : i32
    %jit3A = arith.constant 40 : i32
    %jit3A_7 = arith.constant 40 : i32
    %select_n3A_8 = arith.select %eq3A_6, %jit3A, %jit3A_7 : i32
    %mul3A_9 = arith.constant 632 : i32
    %mul3A_10 = arith.muli %arg1, %mul3A_9 : i32
    %mul3A_11 = arith.constant 632 : i32
    %mul3A_12 = arith.muli %arg1, %mul3A_11 : i32
    %dma_start3A = arith.constant 0 : i32
    %dma_start3A_13 = tpu.memref_slice %arg11[%mul3A_12, %dma_start3A] : memref<10112x128xf32, #tpu.memory_space<vmem_shared>> -> memref<632x128xf32, #tpu.memory_space<vmem_shared>>
    %dma_start3A_14 = arith.constant 0 : i32
    %dma_start3A_15 = tpu.memref_slice %arg5[%mul3A_10, %dma_start3A_14] : memref<10112x128xf32, #tpu.memory_space<hbm>> -> memref<632x128xf32, #tpu.memory_space<hbm>>
    tpu.enqueue_dma source(%dma_start3A_15 : memref<632x128xf32, #tpu.memory_space<hbm>>) target(%dma_start3A_13 : memref<632x128xf32, #tpu.memory_space<vmem_shared>>) target_semaphore(%arg16 : memref<!tpu.dma_semaphore, #tpu.memory_space<semaphore_mem>>)
    %dma_start3A_16 = arith.constant 0 : i32
    %dma_start3A_17 = tpu.memref_slice %arg3[%select_n3A, %dma_start3A_16] : memref<1280x128xi32, #tpu.memory_space<hbm>> -> memref<40x128xi32, #tpu.memory_space<hbm>>
    %dma_start3A_18 = arith.constant 0 : i32
    %dma_start3A_19 = tpu.memref_slice %arg3[%select_n3A, %dma_start3A_18] : memref<1280x128xi32, #tpu.memory_space<hbm>> -> memref<40x128xi32, #tpu.memory_space<hbm>>
    tpu.enqueue_dma source(%dma_start3A_19 : memref<40x128xi32, #tpu.memory_space<hbm>>) target(%arg7 : memref<40x128xi32, #tpu.memory_space<vmem>>) target_semaphore(%arg16 : memref<!tpu.dma_semaphore, #tpu.memory_space<semaphore_mem>>)
    %dma_start3A_20 = arith.constant 0 : i32
    %dma_start3A_21 = tpu.memref_slice %arg4[%select_n3A, %dma_start3A_20] : memref<1280x128xi32, #tpu.memory_space<hbm>> -> memref<40x128xi32, #tpu.memory_space<hbm>>
    %dma_start3A_22 = arith.constant 0 : i32
    %dma_start3A_23 = tpu.memref_slice %arg4[%select_n3A, %dma_start3A_22] : memref<1280x128xi32, #tpu.memory_space<hbm>> -> memref<40x128xi32, #tpu.memory_space<hbm>>
    tpu.enqueue_dma source(%dma_start3A_23 : memref<40x128xi32, #tpu.memory_space<hbm>>) target(%arg8 : memref<40x128xi32, #tpu.memory_space<vmem>>) target_semaphore(%arg16 : memref<!tpu.dma_semaphore, #tpu.memory_space<semaphore_mem>>)
    %mul3A_24 = arith.constant 632 : i32
    %mul3A_25 = arith.muli %arg1, %mul3A_24 : i32
    %mul3A_26 = arith.constant 632 : i32
    %mul3A_27 = arith.muli %arg1, %mul3A_26 : i32
    %dma_wait3A = arith.constant 0 : i32
    %dma_wait3A_28 = tpu.memref_slice %arg11[%mul3A_27, %dma_wait3A] : memref<10112x128xf32, #tpu.memory_space<vmem_shared>> -> memref<632x128xf32, #tpu.memory_space<vmem_shared>>
    %dma_wait3A_29 = arith.constant 0 : i32
    %dma_wait3A_30 = tpu.memref_slice %arg5[%mul3A_25, %dma_wait3A_29] : memref<10112x128xf32, #tpu.memory_space<hbm>> -> memref<632x128xf32, #tpu.memory_space<hbm>>
    tpu.wait_dma2 semaphore(%arg16 : memref<!tpu.dma_semaphore, #tpu.memory_space<semaphore_mem>>) src(%dma_wait3A_30 : memref<632x128xf32, #tpu.memory_space<hbm>>) dst(%dma_wait3A_28 : memref<632x128xf32, #tpu.memory_space<vmem_shared>>)
    %dma_wait3A_31 = arith.constant 0 : i32
    %dma_wait3A_32 = tpu.memref_slice %arg3[%select_n3A, %dma_wait3A_31] : memref<1280x128xi32, #tpu.memory_space<hbm>> -> memref<40x128xi32, #tpu.memory_space<hbm>>
    %dma_wait3A_33 = arith.constant 0 : i32
    %dma_wait3A_34 = tpu.memref_slice %arg3[%select_n3A, %dma_wait3A_33] : memref<1280x128xi32, #tpu.memory_space<hbm>> -> memref<40x128xi32, #tpu.memory_space<hbm>>
    tpu.wait_dma2 semaphore(%arg16 : memref<!tpu.dma_semaphore, #tpu.memory_space<semaphore_mem>>) src(%dma_wait3A_34 : memref<40x128xi32, #tpu.memory_space<hbm>>) dst(%arg7 : memref<40x128xi32, #tpu.memory_space<vmem>>)
    %dma_wait3A_35 = arith.constant 0 : i32
    %dma_wait3A_36 = tpu.memref_slice %arg4[%select_n3A, %dma_wait3A_35] : memref<1280x128xi32, #tpu.memory_space<hbm>> -> memref<40x128xi32, #tpu.memory_space<hbm>>
    %dma_wait3A_37 = arith.constant 0 : i32
    %dma_wait3A_38 = tpu.memref_slice %arg4[%select_n3A, %dma_wait3A_37] : memref<1280x128xi32, #tpu.memory_space<hbm>> -> memref<40x128xi32, #tpu.memory_space<hbm>>
    tpu.wait_dma2 semaphore(%arg16 : memref<!tpu.dma_semaphore, #tpu.memory_space<semaphore_mem>>) src(%dma_wait3A_38 : memref<40x128xi32, #tpu.memory_space<hbm>>) dst(%arg8 : memref<40x128xi32, #tpu.memory_space<vmem>>)
    %barrier3A = arith.constant 0 : index
    tpu.barrier barrier_id(%barrier3A)
    %dma_start3A_39 = arith.constant 0 : i32
    %dma_start3A_40 = arith.constant 0 : i32
    %dma_start3A_41 = tpu.memref_slice %arg7[%dma_start3A_39, %dma_start3A_40] : memref<40x128xi32, #tpu.memory_space<vmem>> -> memref<1x128xi32, #tpu.memory_space<vmem>>
    %dma_start3A_42 = tpu.memref_squeeze %dma_start3A_41 : memref<1x128xi32, #tpu.memory_space<vmem>> -> memref<128xi32, #tpu.memory_space<vmem>>
    %dma_start3A_43 = arith.constant 0 : i32
    %dma_start3A_44 = arith.constant 0 : i32
    %dma_start3A_45 = tpu.memref_slice %arg2[%dma_start3A_43, %dma_start3A_44] : memref<10000x128xf32, #tpu.memory_space<hbm>> -> memref<10000x128xf32, #tpu.memory_space<hbm>>
    tpu.enqueue_indirect_dma source(%dma_start3A_45 : memref<10000x128xf32, #tpu.memory_space<hbm>>) target(%arg9 : memref<128x128xf32, #tpu.memory_space<vmem>>) offsets(%dma_start3A_42 : memref<128xi32, #tpu.memory_space<vmem>>) semaphore(%arg12 : memref<!tpu.dma_semaphore, #tpu.memory_space<semaphore_mem>>)
    %sub3A = arith.constant 0 : i32
    %sub3A_46 = arith.subi %select_n3A_8, %sub3A : i32
    %sub3A_47 = arith.constant 2 : i32
    %sub3A_48 = arith.constant 1 : i32
    %sub3A_49 = arith.subi %sub3A_47, %sub3A_48 : i32
    %add3A_50 = arith.addi %sub3A_46, %sub3A_49 : i32
    %div3A = arith.constant 2 : i32
    %div3A_51 = arith.divsi %add3A_50, %div3A : i32
    %while3A = arith.constant 2 : i32
    %while3A_52 = arith.constant 0 : i32
    %while3A_53 = arith.constant 0 : i32
    %while3A_54 = arith.subi %div3A_51, %while3A_53 : i32
    %while3A_55 = arith.addi %while3A_53, %while3A_54 : i32
    %while3A_56 = arith.constant 1 : i32
    %while3A_57 = arith.divsi %while3A_54, %while3A_56 : i32
    %while3A_58 = arith.muli %while3A_57, %while3A_56 : i32
    %while3A_59 = arith.addi %while3A_53, %while3A_58 : i32
    %while3A_60 = arith.constant 1 : i32
    scf.for %while3A_84 = %while3A_53 to %while3A_59 step %while3A_60  : i32 {
      %mul3A_85 = arith.muli %while3A_84, %while3A : i32
      %add3A_86 = arith.addi %while3A_52, %mul3A_85 : i32
      %add3A_87 = arith.constant 0 : i32
      %add3A_88 = arith.addi %add3A_86, %add3A_87 : i32
      %dma_wait3A_89 = arith.constant 0 : i32
      %dma_wait3A_90 = tpu.memref_slice %arg7[%add3A_88, %dma_wait3A_89] : memref<40x128xi32, #tpu.memory_space<vmem>> -> memref<1x128xi32, #tpu.memory_space<vmem>>
      %dma_wait3A_91 = tpu.memref_squeeze %dma_wait3A_90 : memref<1x128xi32, #tpu.memory_space<vmem>> -> memref<128xi32, #tpu.memory_space<vmem>>
      %dma_wait3A_92 = arith.constant 0 : i32
      %dma_wait3A_93 = arith.constant 0 : i32
      %dma_wait3A_94 = tpu.memref_slice %arg2[%dma_wait3A_92, %dma_wait3A_93] : memref<10000x128xf32, #tpu.memory_space<hbm>> -> memref<10000x128xf32, #tpu.memory_space<hbm>>
      tpu.wait_indirect_dma semaphore(%arg12 : memref<!tpu.dma_semaphore, #tpu.memory_space<semaphore_mem>>) src(%dma_wait3A_94 : memref<10000x128xf32, #tpu.memory_space<hbm>>) dst(%arg9 : memref<128x128xf32, #tpu.memory_space<vmem>>)
      %add3A_95 = arith.constant 0 : i32
      %add3A_96 = arith.addi %add3A_86, %add3A_95 : i32
      %dma_start3A_97 = arith.constant 0 : i32
      %dma_start3A_98 = tpu.memref_slice %arg8[%add3A_96, %dma_start3A_97] : memref<40x128xi32, #tpu.memory_space<vmem>> -> memref<1x128xi32, #tpu.memory_space<vmem>>
      %dma_start3A_99 = tpu.memref_squeeze %dma_start3A_98 : memref<1x128xi32, #tpu.memory_space<vmem>> -> memref<128xi32, #tpu.memory_space<vmem>>
      %dma_start3A_100 = arith.constant 0 : i32
      %dma_start3A_101 = arith.constant 0 : i32
      %dma_start3A_102 = tpu.memref_slice %arg11[%dma_start3A_100, %dma_start3A_101] : memref<10112x128xf32, #tpu.memory_space<vmem_shared>> -> memref<10112x128xf32, #tpu.memory_space<vmem_shared>>
      tpu.enqueue_indirect_dma source(%arg9 : memref<128x128xf32, #tpu.memory_space<vmem>>) target(%dma_start3A_102 : memref<10112x128xf32, #tpu.memory_space<vmem_shared>>) offsets(%dma_start3A_99 : memref<128xi32, #tpu.memory_space<vmem>>) semaphore(%arg14 : memref<!tpu.dma_semaphore, #tpu.memory_space<semaphore_mem>>) {add = true}
      %add3A_103 = arith.constant 0 : i32
      %add3A_104 = arith.addi %add3A_86, %add3A_103 : i32
      %add3A_105 = arith.constant 1 : i32
      %add3A_106 = arith.addi %add3A_104, %add3A_105 : i32
      %lt3A_107 = arith.cmpi slt, %add3A_106, %select_n3A_8 : i32
      %convert_element_type3A_108 = arith.extui %lt3A_107 : i1 to i32
      %cond3A_109 = arith.constant 0 : i32
      %cond3A_110 = arith.cmpi ne, %convert_element_type3A_108, %cond3A_109 : i32
      scf.if %cond3A_110 {
        %ge3A = arith.constant 2 : i32
        %ge3A_135 = arith.cmpi sge, %add3A_106, %ge3A : i32
        %convert_element_type3A_136 = arith.extui %ge3A_135 : i1 to i32
        %cond3A_137 = arith.constant 0 : i32
        %cond3A_138 = arith.cmpi ne, %convert_element_type3A_136, %cond3A_137 : i32
        scf.if %cond3A_138 {
          %dma_wait3A_145 = arith.constant 0 : i32
          %dma_wait3A_146 = arith.constant 0 : i32
          %dma_wait3A_147 = tpu.memref_slice %arg8[%dma_wait3A_145, %dma_wait3A_146] : memref<40x128xi32, #tpu.memory_space<vmem>> -> memref<1x128xi32, #tpu.memory_space<vmem>>
          %dma_wait3A_148 = tpu.memref_squeeze %dma_wait3A_147 : memref<1x128xi32, #tpu.memory_space<vmem>> -> memref<128xi32, #tpu.memory_space<vmem>>
          %dma_wait3A_149 = arith.constant 0 : i32
          %dma_wait3A_150 = arith.constant 0 : i32
          %dma_wait3A_151 = tpu.memref_slice %arg11[%dma_wait3A_149, %dma_wait3A_150] : memref<10112x128xf32, #tpu.memory_space<vmem_shared>> -> memref<10112x128xf32, #tpu.memory_space<vmem_shared>>
          tpu.wait_indirect_dma semaphore(%arg15 : memref<!tpu.dma_semaphore, #tpu.memory_space<semaphore_mem>>) src(%arg10 : memref<128x128xf32, #tpu.memory_space<vmem>>) dst(%dma_wait3A_151 : memref<10112x128xf32, #tpu.memory_space<vmem_shared>>)
        } else {
        }
        %dma_start3A_139 = arith.constant 0 : i32
        %dma_start3A_140 = tpu.memref_slice %arg7[%add3A_106, %dma_start3A_139] : memref<40x128xi32, #tpu.memory_space<vmem>> -> memref<1x128xi32, #tpu.memory_space<vmem>>
        %dma_start3A_141 = tpu.memref_squeeze %dma_start3A_140 : memref<1x128xi32, #tpu.memory_space<vmem>> -> memref<128xi32, #tpu.memory_space<vmem>>
        %dma_start3A_142 = arith.constant 0 : i32
        %dma_start3A_143 = arith.constant 0 : i32
        %dma_start3A_144 = tpu.memref_slice %arg2[%dma_start3A_142, %dma_start3A_143] : memref<10000x128xf32, #tpu.memory_space<hbm>> -> memref<10000x128xf32, #tpu.memory_space<hbm>>
        tpu.enqueue_indirect_dma source(%dma_start3A_144 : memref<10000x128xf32, #tpu.memory_space<hbm>>) target(%arg10 : memref<128x128xf32, #tpu.memory_space<vmem>>) offsets(%dma_start3A_141 : memref<128xi32, #tpu.memory_space<vmem>>) semaphore(%arg13 : memref<!tpu.dma_semaphore, #tpu.memory_space<semaphore_mem>>)
      } else {
      }
      %add3A_111 = arith.constant 1 : i32
      %add3A_112 = arith.addi %add3A_86, %add3A_111 : i32
      %dma_wait3A_113 = arith.constant 0 : i32
      %dma_wait3A_114 = tpu.memref_slice %arg7[%add3A_112, %dma_wait3A_113] : memref<40x128xi32, #tpu.memory_space<vmem>> -> memref<1x128xi32, #tpu.memory_space<vmem>>
      %dma_wait3A_115 = tpu.memref_squeeze %dma_wait3A_114 : memref<1x128xi32, #tpu.memory_space<vmem>> -> memref<128xi32, #tpu.memory_space<vmem>>
      %dma_wait3A_116 = arith.constant 0 : i32
      %dma_wait3A_117 = arith.constant 0 : i32
      %dma_wait3A_118 = tpu.memref_slice %arg2[%dma_wait3A_116, %dma_wait3A_117] : memref<10000x128xf32, #tpu.memory_space<hbm>> -> memref<10000x128xf32, #tpu.memory_space<hbm>>
      tpu.wait_indirect_dma semaphore(%arg13 : memref<!tpu.dma_semaphore, #tpu.memory_space<semaphore_mem>>) src(%dma_wait3A_118 : memref<10000x128xf32, #tpu.memory_space<hbm>>) dst(%arg10 : memref<128x128xf32, #tpu.memory_space<vmem>>)
      %add3A_119 = arith.constant 1 : i32
      %add3A_120 = arith.addi %add3A_86, %add3A_119 : i32
      %dma_start3A_121 = arith.constant 0 : i32
      %dma_start3A_122 = tpu.memref_slice %arg8[%add3A_120, %dma_start3A_121] : memref<40x128xi32, #tpu.memory_space<vmem>> -> memref<1x128xi32, #tpu.memory_space<vmem>>
      %dma_start3A_123 = tpu.memref_squeeze %dma_start3A_122 : memref<1x128xi32, #tpu.memory_space<vmem>> -> memref<128xi32, #tpu.memory_space<vmem>>
      %dma_start3A_124 = arith.constant 0 : i32
      %dma_start3A_125 = arith.constant 0 : i32
      %dma_start3A_126 = tpu.memref_slice %arg11[%dma_start3A_124, %dma_start3A_125] : memref<10112x128xf32, #tpu.memory_space<vmem_shared>> -> memref<10112x128xf32, #tpu.memory_space<vmem_shared>>
      tpu.enqueue_indirect_dma source(%arg10 : memref<128x128xf32, #tpu.memory_space<vmem>>) target(%dma_start3A_126 : memref<10112x128xf32, #tpu.memory_space<vmem_shared>>) offsets(%dma_start3A_123 : memref<128xi32, #tpu.memory_space<vmem>>) semaphore(%arg15 : memref<!tpu.dma_semaphore, #tpu.memory_space<semaphore_mem>>) {add = true}
      %add3A_127 = arith.constant 1 : i32
      %add3A_128 = arith.addi %add3A_86, %add3A_127 : i32
      %add3A_129 = arith.constant 1 : i32
      %add3A_130 = arith.addi %add3A_128, %add3A_129 : i32
      %lt3A_131 = arith.cmpi slt, %add3A_130, %select_n3A_8 : i32
      %convert_element_type3A_132 = arith.extui %lt3A_131 : i1 to i32
      %cond3A_133 = arith.constant 0 : i32
      %cond3A_134 = arith.cmpi ne, %convert_element_type3A_132, %cond3A_133 : i32
      scf.if %cond3A_134 {
        %ge3A = arith.constant 2 : i32
        %ge3A_135 = arith.cmpi sge, %add3A_130, %ge3A : i32
        %convert_element_type3A_136 = arith.extui %ge3A_135 : i1 to i32
        %cond3A_137 = arith.constant 0 : i32
        %cond3A_138 = arith.cmpi ne, %convert_element_type3A_136, %cond3A_137 : i32
        scf.if %cond3A_138 {
          %dma_wait3A_145 = arith.constant 0 : i32
          %dma_wait3A_146 = arith.constant 0 : i32
          %dma_wait3A_147 = tpu.memref_slice %arg8[%dma_wait3A_145, %dma_wait3A_146] : memref<40x128xi32, #tpu.memory_space<vmem>> -> memref<1x128xi32, #tpu.memory_space<vmem>>
          %dma_wait3A_148 = tpu.memref_squeeze %dma_wait3A_147 : memref<1x128xi32, #tpu.memory_space<vmem>> -> memref<128xi32, #tpu.memory_space<vmem>>
          %dma_wait3A_149 = arith.constant 0 : i32
          %dma_wait3A_150 = arith.constant 0 : i32
          %dma_wait3A_151 = tpu.memref_slice %arg11[%dma_wait3A_149, %dma_wait3A_150] : memref<10112x128xf32, #tpu.memory_space<vmem_shared>> -> memref<10112x128xf32, #tpu.memory_space<vmem_shared>>
          tpu.wait_indirect_dma semaphore(%arg14 : memref<!tpu.dma_semaphore, #tpu.memory_space<semaphore_mem>>) src(%arg9 : memref<128x128xf32, #tpu.memory_space<vmem>>) dst(%dma_wait3A_151 : memref<10112x128xf32, #tpu.memory_space<vmem_shared>>)
        } else {
        }
        %dma_start3A_139 = arith.constant 0 : i32
        %dma_start3A_140 = tpu.memref_slice %arg7[%add3A_130, %dma_start3A_139] : memref<40x128xi32, #tpu.memory_space<vmem>> -> memref<1x128xi32, #tpu.memory_space<vmem>>
        %dma_start3A_141 = tpu.memref_squeeze %dma_start3A_140 : memref<1x128xi32, #tpu.memory_space<vmem>> -> memref<128xi32, #tpu.memory_space<vmem>>
        %dma_start3A_142 = arith.constant 0 : i32
        %dma_start3A_143 = arith.constant 0 : i32
        %dma_start3A_144 = tpu.memref_slice %arg2[%dma_start3A_142, %dma_start3A_143] : memref<10000x128xf32, #tpu.memory_space<hbm>> -> memref<10000x128xf32, #tpu.memory_space<hbm>>
        tpu.enqueue_indirect_dma source(%dma_start3A_144 : memref<10000x128xf32, #tpu.memory_space<hbm>>) target(%arg9 : memref<128x128xf32, #tpu.memory_space<vmem>>) offsets(%dma_start3A_141 : memref<128xi32, #tpu.memory_space<vmem>>) semaphore(%arg12 : memref<!tpu.dma_semaphore, #tpu.memory_space<semaphore_mem>>)
      } else {
      }
    }
    %while3A_61 = arith.constant 1 : i32
    scf.for %while3A_84 = %while3A_59 to %while3A_55 step %while3A_61  : i32 {
      %mul3A_85 = arith.muli %while3A_84, %while3A : i32
      %add3A_86 = arith.addi %while3A_52, %mul3A_85 : i32
      %add3A_87 = arith.constant 0 : i32
      %add3A_88 = arith.addi %add3A_86, %add3A_87 : i32
      %dma_wait3A_89 = arith.constant 0 : i32
      %dma_wait3A_90 = tpu.memref_slice %arg7[%add3A_88, %dma_wait3A_89] : memref<40x128xi32, #tpu.memory_space<vmem>> -> memref<1x128xi32, #tpu.memory_space<vmem>>
      %dma_wait3A_91 = tpu.memref_squeeze %dma_wait3A_90 : memref<1x128xi32, #tpu.memory_space<vmem>> -> memref<128xi32, #tpu.memory_space<vmem>>
      %dma_wait3A_92 = arith.constant 0 : i32
      %dma_wait3A_93 = arith.constant 0 : i32
      %dma_wait3A_94 = tpu.memref_slice %arg2[%dma_wait3A_92, %dma_wait3A_93] : memref<10000x128xf32, #tpu.memory_space<hbm>> -> memref<10000x128xf32, #tpu.memory_space<hbm>>
      tpu.wait_indirect_dma semaphore(%arg12 : memref<!tpu.dma_semaphore, #tpu.memory_space<semaphore_mem>>) src(%dma_wait3A_94 : memref<10000x128xf32, #tpu.memory_space<hbm>>) dst(%arg9 : memref<128x128xf32, #tpu.memory_space<vmem>>)
      %add3A_95 = arith.constant 0 : i32
      %add3A_96 = arith.addi %add3A_86, %add3A_95 : i32
      %dma_start3A_97 = arith.constant 0 : i32
      %dma_start3A_98 = tpu.memref_slice %arg8[%add3A_96, %dma_start3A_97] : memref<40x128xi32, #tpu.memory_space<vmem>> -> memref<1x128xi32, #tpu.memory_space<vmem>>
      %dma_start3A_99 = tpu.memref_squeeze %dma_start3A_98 : memref<1x128xi32, #tpu.memory_space<vmem>> -> memref<128xi32, #tpu.memory_space<vmem>>
      %dma_start3A_100 = arith.constant 0 : i32
      %dma_start3A_101 = arith.constant 0 : i32
      %dma_start3A_102 = tpu.memref_slice %arg11[%dma_start3A_100, %dma_start3A_101] : memref<10112x128xf32, #tpu.memory_space<vmem_shared>> -> memref<10112x128xf32, #tpu.memory_space<vmem_shared>>
      tpu.enqueue_indirect_dma source(%arg9 : memref<128x128xf32, #tpu.memory_space<vmem>>) target(%dma_start3A_102 : memref<10112x128xf32, #tpu.memory_space<vmem_shared>>) offsets(%dma_start3A_99 : memref<128xi32, #tpu.memory_space<vmem>>) semaphore(%arg14 : memref<!tpu.dma_semaphore, #tpu.memory_space<semaphore_mem>>) {add = true}
      %add3A_103 = arith.constant 0 : i32
      %add3A_104 = arith.addi %add3A_86, %add3A_103 : i32
      %add3A_105 = arith.constant 1 : i32
      %add3A_106 = arith.addi %add3A_104, %add3A_105 : i32
      %lt3A_107 = arith.cmpi slt, %add3A_106, %select_n3A_8 : i32
      %convert_element_type3A_108 = arith.extui %lt3A_107 : i1 to i32
      %cond3A_109 = arith.constant 0 : i32
      %cond3A_110 = arith.cmpi ne, %convert_element_type3A_108, %cond3A_109 : i32
      scf.if %cond3A_110 {
        %ge3A = arith.constant 2 : i32
        %ge3A_135 = arith.cmpi sge, %add3A_106, %ge3A : i32
        %convert_element_type3A_136 = arith.extui %ge3A_135 : i1 to i32
        %cond3A_137 = arith.constant 0 : i32
        %cond3A_138 = arith.cmpi ne, %convert_element_type3A_136, %cond3A_137 : i32
        scf.if %cond3A_138 {
          %dma_wait3A_145 = arith.constant 0 : i32
          %dma_wait3A_146 = arith.constant 0 : i32
          %dma_wait3A_147 = tpu.memref_slice %arg8[%dma_wait3A_145, %dma_wait3A_146] : memref<40x128xi32, #tpu.memory_space<vmem>> -> memref<1x128xi32, #tpu.memory_space<vmem>>
          %dma_wait3A_148 = tpu.memref_squeeze %dma_wait3A_147 : memref<1x128xi32, #tpu.memory_space<vmem>> -> memref<128xi32, #tpu.memory_space<vmem>>
          %dma_wait3A_149 = arith.constant 0 : i32
          %dma_wait3A_150 = arith.constant 0 : i32
          %dma_wait3A_151 = tpu.memref_slice %arg11[%dma_wait3A_149, %dma_wait3A_150] : memref<10112x128xf32, #tpu.memory_space<vmem_shared>> -> memref<10112x128xf32, #tpu.memory_space<vmem_shared>>
          tpu.wait_indirect_dma semaphore(%arg15 : memref<!tpu.dma_semaphore, #tpu.memory_space<semaphore_mem>>) src(%arg10 : memref<128x128xf32, #tpu.memory_space<vmem>>) dst(%dma_wait3A_151 : memref<10112x128xf32, #tpu.memory_space<vmem_shared>>)
        } else {
        }
        %dma_start3A_139 = arith.constant 0 : i32
        %dma_start3A_140 = tpu.memref_slice %arg7[%add3A_106, %dma_start3A_139] : memref<40x128xi32, #tpu.memory_space<vmem>> -> memref<1x128xi32, #tpu.memory_space<vmem>>
        %dma_start3A_141 = tpu.memref_squeeze %dma_start3A_140 : memref<1x128xi32, #tpu.memory_space<vmem>> -> memref<128xi32, #tpu.memory_space<vmem>>
        %dma_start3A_142 = arith.constant 0 : i32
        %dma_start3A_143 = arith.constant 0 : i32
        %dma_start3A_144 = tpu.memref_slice %arg2[%dma_start3A_142, %dma_start3A_143] : memref<10000x128xf32, #tpu.memory_space<hbm>> -> memref<10000x128xf32, #tpu.memory_space<hbm>>
        tpu.enqueue_indirect_dma source(%dma_start3A_144 : memref<10000x128xf32, #tpu.memory_space<hbm>>) target(%arg10 : memref<128x128xf32, #tpu.memory_space<vmem>>) offsets(%dma_start3A_141 : memref<128xi32, #tpu.memory_space<vmem>>) semaphore(%arg13 : memref<!tpu.dma_semaphore, #tpu.memory_space<semaphore_mem>>)
      } else {
      }
      %add3A_111 = arith.constant 1 : i32
      %add3A_112 = arith.addi %add3A_86, %add3A_111 : i32
      %dma_wait3A_113 = arith.constant 0 : i32
      %dma_wait3A_114 = tpu.memref_slice %arg7[%add3A_112, %dma_wait3A_113] : memref<40x128xi32, #tpu.memory_space<vmem>> -> memref<1x128xi32, #tpu.memory_space<vmem>>
      %dma_wait3A_115 = tpu.memref_squeeze %dma_wait3A_114 : memref<1x128xi32, #tpu.memory_space<vmem>> -> memref<128xi32, #tpu.memory_space<vmem>>
      %dma_wait3A_116 = arith.constant 0 : i32
      %dma_wait3A_117 = arith.constant 0 : i32
      %dma_wait3A_118 = tpu.memref_slice %arg2[%dma_wait3A_116, %dma_wait3A_117] : memref<10000x128xf32, #tpu.memory_space<hbm>> -> memref<10000x128xf32, #tpu.memory_space<hbm>>
      tpu.wait_indirect_dma semaphore(%arg13 : memref<!tpu.dma_semaphore, #tpu.memory_space<semaphore_mem>>) src(%dma_wait3A_118 : memref<10000x128xf32, #tpu.memory_space<hbm>>) dst(%arg10 : memref<128x128xf32, #tpu.memory_space<vmem>>)
      %add3A_119 = arith.constant 1 : i32
      %add3A_120 = arith.addi %add3A_86, %add3A_119 : i32
      %dma_start3A_121 = arith.constant 0 : i32
      %dma_start3A_122 = tpu.memref_slice %arg8[%add3A_120, %dma_start3A_121] : memref<40x128xi32, #tpu.memory_space<vmem>> -> memref<1x128xi32, #tpu.memory_space<vmem>>
      %dma_start3A_123 = tpu.memref_squeeze %dma_start3A_122 : memref<1x128xi32, #tpu.memory_space<vmem>> -> memref<128xi32, #tpu.memory_space<vmem>>
      %dma_start3A_124 = arith.constant 0 : i32
      %dma_start3A_125 = arith.constant 0 : i32
      %dma_start3A_126 = tpu.memref_slice %arg11[%dma_start3A_124, %dma_start3A_125] : memref<10112x128xf32, #tpu.memory_space<vmem_shared>> -> memref<10112x128xf32, #tpu.memory_space<vmem_shared>>
      tpu.enqueue_indirect_dma source(%arg10 : memref<128x128xf32, #tpu.memory_space<vmem>>) target(%dma_start3A_126 : memref<10112x128xf32, #tpu.memory_space<vmem_shared>>) offsets(%dma_start3A_123 : memref<128xi32, #tpu.memory_space<vmem>>) semaphore(%arg15 : memref<!tpu.dma_semaphore, #tpu.memory_space<semaphore_mem>>) {add = true}
      %add3A_127 = arith.constant 1 : i32
      %add3A_128 = arith.addi %add3A_86, %add3A_127 : i32
      %add3A_129 = arith.constant 1 : i32
      %add3A_130 = arith.addi %add3A_128, %add3A_129 : i32
      %lt3A_131 = arith.cmpi slt, %add3A_130, %select_n3A_8 : i32
      %convert_element_type3A_132 = arith.extui %lt3A_131 : i1 to i32
      %cond3A_133 = arith.constant 0 : i32
      %cond3A_134 = arith.cmpi ne, %convert_element_type3A_132, %cond3A_133 : i32
      scf.if %cond3A_134 {
        %ge3A = arith.constant 2 : i32
        %ge3A_135 = arith.cmpi sge, %add3A_130, %ge3A : i32
        %convert_element_type3A_136 = arith.extui %ge3A_135 : i1 to i32
        %cond3A_137 = arith.constant 0 : i32
        %cond3A_138 = arith.cmpi ne, %convert_element_type3A_136, %cond3A_137 : i32
        scf.if %cond3A_138 {
          %dma_wait3A_145 = arith.constant 0 : i32
          %dma_wait3A_146 = arith.constant 0 : i32
          %dma_wait3A_147 = tpu.memref_slice %arg8[%dma_wait3A_145, %dma_wait3A_146] : memref<40x128xi32, #tpu.memory_space<vmem>> -> memref<1x128xi32, #tpu.memory_space<vmem>>
          %dma_wait3A_148 = tpu.memref_squeeze %dma_wait3A_147 : memref<1x128xi32, #tpu.memory_space<vmem>> -> memref<128xi32, #tpu.memory_space<vmem>>
          %dma_wait3A_149 = arith.constant 0 : i32
          %dma_wait3A_150 = arith.constant 0 : i32
          %dma_wait3A_151 = tpu.memref_slice %arg11[%dma_wait3A_149, %dma_wait3A_150] : memref<10112x128xf32, #tpu.memory_space<vmem_shared>> -> memref<10112x128xf32, #tpu.memory_space<vmem_shared>>
          tpu.wait_indirect_dma semaphore(%arg14 : memref<!tpu.dma_semaphore, #tpu.memory_space<semaphore_mem>>) src(%arg9 : memref<128x128xf32, #tpu.memory_space<vmem>>) dst(%dma_wait3A_151 : memref<10112x128xf32, #tpu.memory_space<vmem_shared>>)
        } else {
        }
        %dma_start3A_139 = arith.constant 0 : i32
        %dma_start3A_140 = tpu.memref_slice %arg7[%add3A_130, %dma_start3A_139] : memref<40x128xi32, #tpu.memory_space<vmem>> -> memref<1x128xi32, #tpu.memory_space<vmem>>
        %dma_start3A_141 = tpu.memref_squeeze %dma_start3A_140 : memref<1x128xi32, #tpu.memory_space<vmem>> -> memref<128xi32, #tpu.memory_space<vmem>>
        %dma_start3A_142 = arith.constant 0 : i32
        %dma_start3A_143 = arith.constant 0 : i32
        %dma_start3A_144 = tpu.memref_slice %arg2[%dma_start3A_142, %dma_start3A_143] : memref<10000x128xf32, #tpu.memory_space<hbm>> -> memref<10000x128xf32, #tpu.memory_space<hbm>>
        tpu.enqueue_indirect_dma source(%dma_start3A_144 : memref<10000x128xf32, #tpu.memory_space<hbm>>) target(%arg9 : memref<128x128xf32, #tpu.memory_space<vmem>>) offsets(%dma_start3A_141 : memref<128xi32, #tpu.memory_space<vmem>>) semaphore(%arg12 : memref<!tpu.dma_semaphore, #tpu.memory_space<semaphore_mem>>)
      } else {
      }
    }
    %dma_wait3A_62 = arith.constant 0 : i32
    %dma_wait3A_63 = arith.constant 0 : i32
    %dma_wait3A_64 = tpu.memref_slice %arg8[%dma_wait3A_62, %dma_wait3A_63] : memref<40x128xi32, #tpu.memory_space<vmem>> -> memref<1x128xi32, #tpu.memory_space<vmem>>
    %dma_wait3A_65 = tpu.memref_squeeze %dma_wait3A_64 : memref<1x128xi32, #tpu.memory_space<vmem>> -> memref<128xi32, #tpu.memory_space<vmem>>
    %dma_wait3A_66 = arith.constant 0 : i32
    %dma_wait3A_67 = arith.constant 0 : i32
    %dma_wait3A_68 = tpu.memref_slice %arg11[%dma_wait3A_66, %dma_wait3A_67] : memref<10112x128xf32, #tpu.memory_space<vmem_shared>> -> memref<10112x128xf32, #tpu.memory_space<vmem_shared>>
    tpu.wait_indirect_dma semaphore(%arg14 : memref<!tpu.dma_semaphore, #tpu.memory_space<semaphore_mem>>) src(%arg9 : memref<128x128xf32, #tpu.memory_space<vmem>>) dst(%dma_wait3A_68 : memref<10112x128xf32, #tpu.memory_space<vmem_shared>>)
    %dma_wait3A_69 = arith.constant 0 : i32
    %dma_wait3A_70 = arith.constant 0 : i32
    %dma_wait3A_71 = tpu.memref_slice %arg8[%dma_wait3A_69, %dma_wait3A_70] : memref<40x128xi32, #tpu.memory_space<vmem>> -> memref<1x128xi32, #tpu.memory_space<vmem>>
    %dma_wait3A_72 = tpu.memref_squeeze %dma_wait3A_71 : memref<1x128xi32, #tpu.memory_space<vmem>> -> memref<128xi32, #tpu.memory_space<vmem>>
    %dma_wait3A_73 = arith.constant 0 : i32
    %dma_wait3A_74 = arith.constant 0 : i32
    %dma_wait3A_75 = tpu.memref_slice %arg11[%dma_wait3A_73, %dma_wait3A_74] : memref<10112x128xf32, #tpu.memory_space<vmem_shared>> -> memref<10112x128xf32, #tpu.memory_space<vmem_shared>>
    tpu.wait_indirect_dma semaphore(%arg15 : memref<!tpu.dma_semaphore, #tpu.memory_space<semaphore_mem>>) src(%arg10 : memref<128x128xf32, #tpu.memory_space<vmem>>) dst(%dma_wait3A_75 : memref<10112x128xf32, #tpu.memory_space<vmem_shared>>)
    %barrier3A_76 = arith.constant 0 : index
    tpu.barrier barrier_id(%barrier3A_76)
    %lt3A = arith.constant 15 : i32
    %lt3A_77 = arith.cmpi slt, %arg1, %lt3A : i32
    %convert_element_type3A = arith.extui %lt3A_77 : i1 to i32
    %cond3A = arith.constant 0 : i32
    %cond3A_78 = arith.cmpi ne, %convert_element_type3A, %cond3A : i32
    scf.if %cond3A_78 {
      %mul3A_84 = arith.constant 632 : i32
      %mul3A_85 = arith.muli %arg1, %mul3A_84 : i32
      %mul3A_86 = arith.constant 632 : i32
      %mul3A_87 = arith.muli %arg1, %mul3A_86 : i32
      "tpu.region"() ({
        %run_scoped3A = tpu.sem_alloc : memref<!tpu.dma_semaphore, #tpu.memory_space<semaphore_mem>>
        %dma_start3A_88 = arith.constant 0 : i32
        %dma_start3A_89 = tpu.memref_slice %arg6[%arg0, %mul3A_87, %dma_start3A_88] : memref<2x10000x128xf32, #tpu.memory_space<hbm>> -> memref<1x632x128xf32, #tpu.memory_space<hbm>>
        %dma_start3A_90 = tpu.memref_squeeze %dma_start3A_89 : memref<1x632x128xf32, #tpu.memory_space<hbm>> -> memref<632x128xf32, #tpu.memory_space<hbm>>
        %dma_start3A_91 = arith.constant 0 : i32
        %dma_start3A_92 = tpu.memref_slice %arg11[%mul3A_85, %dma_start3A_91] : memref<10112x128xf32, #tpu.memory_space<vmem_shared>> -> memref<632x128xf32, #tpu.memory_space<vmem_shared>>
        tpu.enqueue_dma source(%dma_start3A_92 : memref<632x128xf32, #tpu.memory_space<vmem_shared>>) target(%dma_start3A_90 : memref<632x128xf32, #tpu.memory_space<hbm>>) target_semaphore(%run_scoped3A : memref<!tpu.dma_semaphore, #tpu.memory_space<semaphore_mem>>)
        %dma_wait3A_93 = arith.constant 0 : i32
        %dma_wait3A_94 = tpu.memref_slice %arg6[%arg0, %mul3A_87, %dma_wait3A_93] : memref<2x10000x128xf32, #tpu.memory_space<hbm>> -> memref<1x632x128xf32, #tpu.memory_space<hbm>>
        %dma_wait3A_95 = tpu.memref_squeeze %dma_wait3A_94 : memref<1x632x128xf32, #tpu.memory_space<hbm>> -> memref<632x128xf32, #tpu.memory_space<hbm>>
        %dma_wait3A_96 = arith.constant 0 : i32
        %dma_wait3A_97 = tpu.memref_slice %arg11[%mul3A_85, %dma_wait3A_96] : memref<10112x128xf32, #tpu.memory_space<vmem_shared>> -> memref<632x128xf32, #tpu.memory_space<vmem_shared>>
        tpu.wait_dma2 semaphore(%run_scoped3A : memref<!tpu.dma_semaphore, #tpu.memory_space<semaphore_mem>>) src(%dma_wait3A_97 : memref<632x128xf32, #tpu.memory_space<vmem_shared>>) dst(%dma_wait3A_95 : memref<632x128xf32, #tpu.memory_space<hbm>>)
        tpu.yield
      }) : () -> ()
    } else {
    }
    %eq3A_79 = arith.constant 15 : i32
    %eq3A_80 = arith.cmpi eq, %arg1, %eq3A_79 : i32
    %convert_element_type3A_81 = arith.extui %eq3A_80 : i1 to i32
    %cond3A_82 = arith.constant 0 : i32
    %cond3A_83 = arith.cmpi ne, %convert_element_type3A_81, %cond3A_82 : i32
    scf.if %cond3A_83 {
      "tpu.region"() ({
        %run_scoped3A = tpu.sem_alloc : memref<!tpu.dma_semaphore, #tpu.memory_space<semaphore_mem>>
        %dma_start3A_84 = arith.constant 9480 : i32
        %dma_start3A_85 = arith.constant 0 : i32
        %dma_start3A_86 = tpu.memref_slice %arg6[%arg0, %dma_start3A_84, %dma_start3A_85] : memref<2x10000x128xf32, #tpu.memory_space<hbm>> -> memref<1x520x128xf32, #tpu.memory_space<hbm>>
        %dma_start3A_87 = tpu.memref_squeeze %dma_start3A_86 : memref<1x520x128xf32, #tpu.memory_space<hbm>> -> memref<520x128xf32, #tpu.memory_space<hbm>>
        %dma_start3A_88 = arith.constant 9480 : i32
        %dma_start3A_89 = arith.constant 0 : i32
        %dma_start3A_90 = tpu.memref_slice %arg11[%dma_start3A_88, %dma_start3A_89] : memref<10112x128xf32, #tpu.memory_space<vmem_shared>> -> memref<520x128xf32, #tpu.memory_space<vmem_shared>>
        tpu.enqueue_dma source(%dma_start3A_90 : memref<520x128xf32, #tpu.memory_space<vmem_shared>>) target(%dma_start3A_87 : memref<520x128xf32, #tpu.memory_space<hbm>>) target_semaphore(%run_scoped3A : memref<!tpu.dma_semaphore, #tpu.memory_space<semaphore_mem>>)
        %dma_wait3A_91 = arith.constant 9480 : i32
        %dma_wait3A_92 = arith.constant 0 : i32
        %dma_wait3A_93 = tpu.memref_slice %arg6[%arg0, %dma_wait3A_91, %dma_wait3A_92] : memref<2x10000x128xf32, #tpu.memory_space<hbm>> -> memref<1x520x128xf32, #tpu.memory_space<hbm>>
        %dma_wait3A_94 = tpu.memref_squeeze %dma_wait3A_93 : memref<1x520x128xf32, #tpu.memory_space<hbm>> -> memref<520x128xf32, #tpu.memory_space<hbm>>
        %dma_wait3A_95 = arith.constant 9480 : i32
        %dma_wait3A_96 = arith.constant 0 : i32
        %dma_wait3A_97 = tpu.memref_slice %arg11[%dma_wait3A_95, %dma_wait3A_96] : memref<10112x128xf32, #tpu.memory_space<vmem_shared>> -> memref<520x128xf32, #tpu.memory_space<vmem_shared>>
        tpu.wait_dma2 semaphore(%run_scoped3A : memref<!tpu.dma_semaphore, #tpu.memory_space<semaphore_mem>>) src(%dma_wait3A_97 : memref<520x128xf32, #tpu.memory_space<vmem_shared>>) dst(%dma_wait3A_94 : memref<520x128xf32, #tpu.memory_space<hbm>>)
        tpu.yield
      }) : () -> ()
    } else {
    }
    return
  }
}

module attributes {stable_mosaic.version = 14 : i64} {
  func.func @body(%arg0: i32, %arg1: memref<2000x768xf32, #tpu.memory_space<vmem>>, %arg2: memref<768x128xf32, #tpu.memory_space<vmem>>, %arg3: memref<2000x128xf32, #tpu.memory_space<vmem>>) attributes {dimension_semantics = [#tpu.dimension_semantics<arbitrary>], iteration_bounds = array<i64: 5>, scalar_prefetch = 0 : i64, scratch_operands = 0 : i64, tpu.core_type = #tpu.core_type<tc>, window_params = [{transform_indices = @transform_0, window_bounds = array<i64: 2000, 768>}, {pipeline_mode = #tpu.pipeline_mode<synchronous>, transform_indices = @transform_1, window_bounds = array<i64: 768, 128>}, {transform_indices = @transform_2, window_bounds = array<i64: 2000, 128>}]} {
    %get3A = arith.constant 0 : index
    %get3A_0 = arith.constant 0 : index
    %get3A_1 = vector.load %arg1[%get3A, %get3A_0] : memref<2000x768xf32, #tpu.memory_space<vmem>>, vector<2000x768xf32>
    %get3A_2 = arith.constant 0 : index
    %get3A_3 = arith.constant 0 : index
    %get3A_4 = vector.load %arg2[%get3A_2, %get3A_3] : memref<768x128xf32, #tpu.memory_space<vmem>>, vector<768x128xf32>
    %dot_general3A = arith.constant dense<0.000000e+00> : vector<2000x128xf32>
    %dot_general3A_5 = tpu.matmul %get3A_1, %get3A_4, %dot_general3A {dimension_numbers = #tpu.dot_dimension_numbers<[1], [0], [0], [1], [0, 0, 1, 1], [], []>, transpose_lhs_hint = false} : vector<2000x768xf32>, vector<768x128xf32>, vector<2000x128xf32> -> vector<2000x128xf32>
    %swap3A = arith.constant 0 : index
    %swap3A_6 = arith.constant 0 : index
    %swap3A_7 = vector.load %arg3[%swap3A, %swap3A_6] : memref<2000x128xf32, #tpu.memory_space<vmem>>, vector<2000x128xf32>
    tpu.vector_store %arg3[%swap3A, %swap3A_6], %dot_general3A_5 {strides = array<i32>} : memref<2000x128xf32, #tpu.memory_space<vmem>>, vector<2000x128xf32>,
    return
  }
  func.func @transform_0(%arg0: i32) -> (i32, i32) {
    %c0_i32 = arith.constant 0 : i32
    %c0_i32_0 = arith.constant 0 : i32
    return %arg0, %c0_i32 : i32, i32
  }
  func.func @transform_1(%arg0: i32) -> (i32, i32) {
    %c0_i32 = arith.constant 0 : i32
    %c0_i32_0 = arith.constant 0 : i32
    %c0_i32_1 = arith.constant 0 : i32
    return %c0_i32, %c0_i32_0 : i32, i32
  }
  func.func @transform_2(%arg0: i32) -> (i32, i32) {
    %c0_i32 = arith.constant 0 : i32
    %c0_i32_0 = arith.constant 0 : i32
    return %arg0, %c0_i32 : i32, i32
  }
}

module attributes {stable_mosaic.version = 14 : i64} {
  func.func @body(%arg0: i32, %arg1: memref<2000x128xf32, #tpu.memory_space<vmem>>, %arg2: memref<2x2000x128xf32, #tpu.memory_space<vmem>>, %arg3: memref<1x128xf32, #tpu.memory_space<vmem>>, %arg4: memref<1x128xf32, #tpu.memory_space<vmem>>, %arg5: memref<1x128xf32, #tpu.memory_space<vmem>>, %arg6: memref<128x128xf32, #tpu.memory_space<vmem>>, %arg7: memref<1x128xf32, #tpu.memory_space<vmem>>, %arg8: memref<2000x128xf32, #tpu.memory_space<vmem>>) attributes {dimension_semantics = [#tpu.dimension_semantics<arbitrary>], iteration_bounds = array<i64: 5>, scalar_prefetch = 0 : i64, scratch_operands = 0 : i64, tpu.core_type = #tpu.core_type<tc>, window_params = [{transform_indices = @transform_0, window_bounds = array<i64: 2000, 128>}, {transform_indices = @transform_1, window_bounds = array<i64: 2, 2000, 128>}, {pipeline_mode = #tpu.pipeline_mode<synchronous>, transform_indices = @transform_2, window_bounds = array<i64: 1, 128>}, {pipeline_mode = #tpu.pipeline_mode<synchronous>, transform_indices = @transform_3, window_bounds = array<i64: 1, 128>}, {pipeline_mode = #tpu.pipeline_mode<synchronous>, transform_indices = @transform_4, window_bounds = array<i64: 1, 128>}, {pipeline_mode = #tpu.pipeline_mode<synchronous>, transform_indices = @transform_5, window_bounds = array<i64: 128, 128>}, {pipeline_mode = #tpu.pipeline_mode<synchronous>, transform_indices = @transform_6, window_bounds = array<i64: 1, 128>}, {transform_indices = @transform_7, window_bounds = array<i64: 2000, 128>}]} {
    %get3A = arith.constant 0 : index
    %get3A_0 = arith.constant 0 : index
    %get3A_1 = vector.load %arg1[%get3A, %get3A_0] : memref<2000x128xf32, #tpu.memory_space<vmem>>, vector<2000x128xf32>
    %get3A_2 = arith.constant 0 : index
    %get3A_3 = arith.constant 0 : index
    %get3A_4 = arith.constant 0 : index
    %get3A_5 = vector.load %arg2[%get3A_2, %get3A_3, %get3A_4] : memref<2x2000x128xf32, #tpu.memory_space<vmem>>, vector<1x2000x128xf32>
    %get3A_6 = vector.shape_cast %get3A_5 : vector<1x2000x128xf32> to vector<2000x128xf32>
    %add3A = arith.addf %get3A_1, %get3A_6 : vector<2000x128xf32>
    %get3A_7 = arith.constant 1 : index
    %get3A_8 = arith.constant 0 : index
    %get3A_9 = arith.constant 0 : index
    %get3A_10 = vector.load %arg2[%get3A_7, %get3A_8, %get3A_9] : memref<2x2000x128xf32, #tpu.memory_space<vmem>>, vector<1x2000x128xf32>
    %get3A_11 = vector.shape_cast %get3A_10 : vector<1x2000x128xf32> to vector<2000x128xf32>
    %add3A_12 = arith.addf %add3A, %get3A_11 : vector<2000x128xf32>
    %get3A_13 = arith.constant 0 : index
    %get3A_14 = arith.constant 0 : index
    %get3A_15 = vector.load %arg3[%get3A_13, %get3A_14] : memref<1x128xf32, #tpu.memory_space<vmem>>, vector<1x128xf32>
    %add3A_16 = vector.broadcast %get3A_15 : vector<1x128xf32> to vector<2000x128xf32>
    %add3A_17 = arith.addf %add3A_12, %add3A_16 : vector<2000x128xf32>
    %get3A_18 = arith.constant 0 : index
    %get3A_19 = arith.constant 0 : index
    %get3A_20 = vector.load %arg4[%get3A_18, %get3A_19] : memref<1x128xf32, #tpu.memory_space<vmem>>, vector<1x128xf32>
    %mul3A = arith.constant 0.999994993 : f32
    %mul3A_21 = vector.broadcast %mul3A : f32 to vector<1x128xf32>
    %mul3A_22 = arith.mulf %get3A_20, %mul3A_21 : vector<1x128xf32>
    %mul3A_23 = vector.broadcast %mul3A_22 : vector<1x128xf32> to vector<2000x128xf32>
    %mul3A_24 = arith.mulf %add3A_17, %mul3A_23 : vector<2000x128xf32>
    %get3A_25 = arith.constant 0 : index
    %get3A_26 = arith.constant 0 : index
    %get3A_27 = vector.load %arg5[%get3A_25, %get3A_26] : memref<1x128xf32, #tpu.memory_space<vmem>>, vector<1x128xf32>
    %add3A_28 = vector.broadcast %get3A_27 : vector<1x128xf32> to vector<2000x128xf32>
    %add3A_29 = arith.addf %mul3A_24, %add3A_28 : vector<2000x128xf32>
    %max3A = arith.constant 0.000000e+00 : f32
    %max3A_30 = vector.broadcast %max3A : f32 to vector<2000x128xf32>
    %max3A_31 = arith.maximumf %add3A_29, %max3A_30 : vector<2000x128xf32>
    %get3A_32 = arith.constant 0 : index
    %get3A_33 = arith.constant 0 : index
    %get3A_34 = vector.load %arg6[%get3A_32, %get3A_33] : memref<128x128xf32, #tpu.memory_space<vmem>>, vector<128x128xf32>
    %dot_general3A = arith.constant dense<0.000000e+00> : vector<2000x128xf32>
    %dot_general3A_35 = tpu.matmul %max3A_31, %get3A_34, %dot_general3A {dimension_numbers = #tpu.dot_dimension_numbers<[1], [0], [0], [1], [0, 0, 1, 1], [], []>, transpose_lhs_hint = false} : vector<2000x128xf32>, vector<128x128xf32>, vector<2000x128xf32> -> vector<2000x128xf32>
    %get3A_36 = arith.constant 0 : index
    %get3A_37 = arith.constant 0 : index
    %get3A_38 = vector.load %arg7[%get3A_36, %get3A_37] : memref<1x128xf32, #tpu.memory_space<vmem>>, vector<1x128xf32>
    %add3A_39 = vector.broadcast %get3A_38 : vector<1x128xf32> to vector<2000x128xf32>
    %add3A_40 = arith.addf %dot_general3A_35, %add3A_39 : vector<2000x128xf32>
    %max3A_41 = arith.constant 0.000000e+00 : f32
    %max3A_42 = vector.broadcast %max3A_41 : f32 to vector<2000x128xf32>
    %max3A_43 = arith.maximumf %add3A_40, %max3A_42 : vector<2000x128xf32>
    %swap3A = arith.constant 0 : index
    %swap3A_44 = arith.constant 0 : index
    %swap3A_45 = vector.load %arg8[%swap3A, %swap3A_44] : memref<2000x128xf32, #tpu.memory_space<vmem>>, vector<2000x128xf32>
    tpu.vector_store %arg8[%swap3A, %swap3A_44], %max3A_43 {strides = array<i32>} : memref<2000x128xf32, #tpu.memory_space<vmem>>, vector<2000x128xf32>,
    return
  }
  func.func @transform_0(%arg0: i32) -> (i32, i32) {
    %c0_i32 = arith.constant 0 : i32
    %c0_i32_0 = arith.constant 0 : i32
    return %arg0, %c0_i32 : i32, i32
  }
  func.func @transform_1(%arg0: i32) -> (i32, i32, i32) {
    %c0_i32 = arith.constant 0 : i32
    %c0_i32_0 = arith.constant 0 : i32
    %c0_i32_1 = arith.constant 0 : i32
    return %c0_i32, %arg0, %c0_i32_0 : i32, i32, i32
  }
  func.func @transform_2(%arg0: i32) -> (i32, i32) {
    %c0_i32 = arith.constant 0 : i32
    %c0_i32_0 = arith.constant 0 : i32
    %c0_i32_1 = arith.constant 0 : i32
    return %c0_i32, %c0_i32_0 : i32, i32
  }
  func.func @transform_3(%arg0: i32) -> (i32, i32) {
    %c0_i32 = arith.constant 0 : i32
    %c0_i32_0 = arith.constant 0 : i32
    %c0_i32_1 = arith.constant 0 : i32
    return %c0_i32, %c0_i32_0 : i32, i32
  }
  func.func @transform_4(%arg0: i32) -> (i32, i32) {
    %c0_i32 = arith.constant 0 : i32
    %c0_i32_0 = arith.constant 0 : i32
    %c0_i32_1 = arith.constant 0 : i32
    return %c0_i32, %c0_i32_0 : i32, i32
  }
  func.func @transform_5(%arg0: i32) -> (i32, i32) {
    %c0_i32 = arith.constant 0 : i32
    %c0_i32_0 = arith.constant 0 : i32
    %c0_i32_1 = arith.constant 0 : i32
    return %c0_i32, %c0_i32_0 : i32, i32
  }
  func.func @transform_6(%arg0: i32) -> (i32, i32) {
    %c0_i32 = arith.constant 0 : i32
    %c0_i32_0 = arith.constant 0 : i32
    %c0_i32_1 = arith.constant 0 : i32
    return %c0_i32, %c0_i32_0 : i32, i32
  }
  func.func @transform_7(%arg0: i32) -> (i32, i32) {
    %c0_i32 = arith.constant 0 : i32
    %c0_i32_0 = arith.constant 0 : i32
    return %arg0, %c0_i32 : i32, i32
  }
}

module attributes {stable_mosaic.version = 14 : i64} {
  func.func @body(%arg0: i32, %arg1: memref<2000x128xf32, #tpu.memory_space<vmem>>, %arg2: memref<2x2000x128xf32, #tpu.memory_space<vmem>>, %arg3: memref<128x128xf32, #tpu.memory_space<vmem>>, %arg4: memref<1x128xf32, #tpu.memory_space<vmem>>, %arg5: memref<1x128xf32, #tpu.memory_space<vmem>>, %arg6: memref<1x128xf32, #tpu.memory_space<vmem>>, %arg7: memref<128x128xf32, #tpu.memory_space<vmem>>, %arg8: memref<1x128xf32, #tpu.memory_space<vmem>>, %arg9: memref<128x128xf32, #tpu.memory_space<vmem>>, %arg10: memref<1x128xf32, #tpu.memory_space<vmem>>, %arg11: memref<2000x128xf32, #tpu.memory_space<vmem>>) attributes {dimension_semantics = [#tpu.dimension_semantics<arbitrary>], iteration_bounds = array<i64: 5>, scalar_prefetch = 0 : i64, scratch_operands = 0 : i64, tpu.core_type = #tpu.core_type<tc>, window_params = [{transform_indices = @transform_0, window_bounds = array<i64: 2000, 128>}, {transform_indices = @transform_1, window_bounds = array<i64: 2, 2000, 128>}, {pipeline_mode = #tpu.pipeline_mode<synchronous>, transform_indices = @transform_2, window_bounds = array<i64: 128, 128>}, {pipeline_mode = #tpu.pipeline_mode<synchronous>, transform_indices = @transform_3, window_bounds = array<i64: 1, 128>}, {pipeline_mode = #tpu.pipeline_mode<synchronous>, transform_indices = @transform_4, window_bounds = array<i64: 1, 128>}, {pipeline_mode = #tpu.pipeline_mode<synchronous>, transform_indices = @transform_5, window_bounds = array<i64: 1, 128>}, {pipeline_mode = #tpu.pipeline_mode<synchronous>, transform_indices = @transform_6, window_bounds = array<i64: 128, 128>}, {pipeline_mode = #tpu.pipeline_mode<synchronous>, transform_indices = @transform_7, window_bounds = array<i64: 1, 128>}, {pipeline_mode = #tpu.pipeline_mode<synchronous>, transform_indices = @transform_8, window_bounds = array<i64: 128, 128>}, {pipeline_mode = #tpu.pipeline_mode<synchronous>, transform_indices = @transform_9, window_bounds = array<i64: 1, 128>}, {transform_indices = @transform_10, window_bounds = array<i64: 2000, 128>}]} {
    %get3A = arith.constant 0 : index
    %get3A_0 = arith.constant 0 : index
    %get3A_1 = vector.load %arg1[%get3A, %get3A_0] : memref<2000x128xf32, #tpu.memory_space<vmem>>, vector<2000x128xf32>
    %get3A_2 = arith.constant 0 : index
    %get3A_3 = arith.constant 0 : index
    %get3A_4 = arith.constant 0 : index
    %get3A_5 = vector.load %arg2[%get3A_2, %get3A_3, %get3A_4] : memref<2x2000x128xf32, #tpu.memory_space<vmem>>, vector<1x2000x128xf32>
    %get3A_6 = vector.shape_cast %get3A_5 : vector<1x2000x128xf32> to vector<2000x128xf32>
    %add3A = arith.addf %get3A_1, %get3A_6 : vector<2000x128xf32>
    %get3A_7 = arith.constant 1 : index
    %get3A_8 = arith.constant 0 : index
    %get3A_9 = arith.constant 0 : index
    %get3A_10 = vector.load %arg2[%get3A_7, %get3A_8, %get3A_9] : memref<2x2000x128xf32, #tpu.memory_space<vmem>>, vector<1x2000x128xf32>
    %get3A_11 = vector.shape_cast %get3A_10 : vector<1x2000x128xf32> to vector<2000x128xf32>
    %add3A_12 = arith.addf %add3A, %get3A_11 : vector<2000x128xf32>
    %get3A_13 = arith.constant 0 : index
    %get3A_14 = arith.constant 0 : index
    %get3A_15 = vector.load %arg3[%get3A_13, %get3A_14] : memref<128x128xf32, #tpu.memory_space<vmem>>, vector<128x128xf32>
    %dot_general3A = arith.constant dense<0.000000e+00> : vector<2000x128xf32>
    %dot_general3A_16 = tpu.matmul %add3A_12, %get3A_15, %dot_general3A {dimension_numbers = #tpu.dot_dimension_numbers<[1], [0], [0], [1], [0, 0, 1, 1], [], []>, transpose_lhs_hint = false} : vector<2000x128xf32>, vector<128x128xf32>, vector<2000x128xf32> -> vector<2000x128xf32>
    %get3A_17 = arith.constant 0 : index
    %get3A_18 = arith.constant 0 : index
    %get3A_19 = vector.load %arg4[%get3A_17, %get3A_18] : memref<1x128xf32, #tpu.memory_space<vmem>>, vector<1x128xf32>
    %add3A_20 = vector.broadcast %get3A_19 : vector<1x128xf32> to vector<2000x128xf32>
    %add3A_21 = arith.addf %dot_general3A_16, %add3A_20 : vector<2000x128xf32>
    %get3A_22 = arith.constant 0 : index
    %get3A_23 = arith.constant 0 : index
    %get3A_24 = vector.load %arg5[%get3A_22, %get3A_23] : memref<1x128xf32, #tpu.memory_space<vmem>>, vector<1x128xf32>
    %mul3A = arith.constant 0.999994993 : f32
    %mul3A_25 = vector.broadcast %mul3A : f32 to vector<1x128xf32>
    %mul3A_26 = arith.mulf %get3A_24, %mul3A_25 : vector<1x128xf32>
    %mul3A_27 = vector.broadcast %mul3A_26 : vector<1x128xf32> to vector<2000x128xf32>
    %mul3A_28 = arith.mulf %add3A_21, %mul3A_27 : vector<2000x128xf32>
    %get3A_29 = arith.constant 0 : index
    %get3A_30 = arith.constant 0 : index
    %get3A_31 = vector.load %arg6[%get3A_29, %get3A_30] : memref<1x128xf32, #tpu.memory_space<vmem>>, vector<1x128xf32>
    %add3A_32 = vector.broadcast %get3A_31 : vector<1x128xf32> to vector<2000x128xf32>
    %add3A_33 = arith.addf %mul3A_28, %add3A_32 : vector<2000x128xf32>
    %max3A = arith.constant 0.000000e+00 : f32
    %max3A_34 = vector.broadcast %max3A : f32 to vector<2000x128xf32>
    %max3A_35 = arith.maximumf %add3A_33, %max3A_34 : vector<2000x128xf32>
    %get3A_36 = arith.constant 0 : index
    %get3A_37 = arith.constant 0 : index
    %get3A_38 = vector.load %arg7[%get3A_36, %get3A_37] : memref<128x128xf32, #tpu.memory_space<vmem>>, vector<128x128xf32>
    %dot_general3A_39 = arith.constant dense<0.000000e+00> : vector<2000x128xf32>
    %dot_general3A_40 = tpu.matmul %max3A_35, %get3A_38, %dot_general3A_39 {dimension_numbers = #tpu.dot_dimension_numbers<[1], [0], [0], [1], [0, 0, 1, 1], [], []>, transpose_lhs_hint = false} : vector<2000x128xf32>, vector<128x128xf32>, vector<2000x128xf32> -> vector<2000x128xf32>
    %get3A_41 = arith.constant 0 : index
    %get3A_42 = arith.constant 0 : index
    %get3A_43 = vector.load %arg8[%get3A_41, %get3A_42] : memref<1x128xf32, #tpu.memory_space<vmem>>, vector<1x128xf32>
    %add3A_44 = vector.broadcast %get3A_43 : vector<1x128xf32> to vector<2000x128xf32>
    %add3A_45 = arith.addf %dot_general3A_40, %add3A_44 : vector<2000x128xf32>
    %max3A_46 = arith.constant 0.000000e+00 : f32
    %max3A_47 = vector.broadcast %max3A_46 : f32 to vector<2000x128xf32>
    %max3A_48 = arith.maximumf %add3A_45, %max3A_47 : vector<2000x128xf32>
    %get3A_49 = arith.constant 0 : index
    %get3A_50 = arith.constant 0 : index
    %get3A_51 = vector.load %arg9[%get3A_49, %get3A_50] : memref<128x128xf32, #tpu.memory_space<vmem>>, vector<128x128xf32>
    %dot_general3A_52 = arith.constant dense<0.000000e+00> : vector<2000x128xf32>
    %dot_general3A_53 = tpu.matmul %max3A_48, %get3A_51, %dot_general3A_52 {dimension_numbers = #tpu.dot_dimension_numbers<[1], [0], [0], [1], [0, 0, 1, 1], [], []>, transpose_lhs_hint = false} : vector<2000x128xf32>, vector<128x128xf32>, vector<2000x128xf32> -> vector<2000x128xf32>
    %get3A_54 = arith.constant 0 : index
    %get3A_55 = arith.constant 0 : index
    %get3A_56 = vector.load %arg10[%get3A_54, %get3A_55] : memref<1x128xf32, #tpu.memory_space<vmem>>, vector<1x128xf32>
    %add3A_57 = vector.broadcast %get3A_56 : vector<1x128xf32> to vector<2000x128xf32>
    %add3A_58 = arith.addf %dot_general3A_53, %add3A_57 : vector<2000x128xf32>
    %swap3A = arith.constant 0 : index
    %swap3A_59 = arith.constant 0 : index
    %swap3A_60 = vector.load %arg11[%swap3A, %swap3A_59] : memref<2000x128xf32, #tpu.memory_space<vmem>>, vector<2000x128xf32>
    tpu.vector_store %arg11[%swap3A, %swap3A_59], %add3A_58 {strides = array<i32>} : memref<2000x128xf32, #tpu.memory_space<vmem>>, vector<2000x128xf32>,
    return
  }
  func.func @transform_0(%arg0: i32) -> (i32, i32) {
    %c0_i32 = arith.constant 0 : i32
    %c0_i32_0 = arith.constant 0 : i32
    return %arg0, %c0_i32 : i32, i32
  }
  func.func @transform_1(%arg0: i32) -> (i32, i32, i32) {
    %c0_i32 = arith.constant 0 : i32
    %c0_i32_0 = arith.constant 0 : i32
    %c0_i32_1 = arith.constant 0 : i32
    return %c0_i32, %arg0, %c0_i32_0 : i32, i32, i32
  }
  func.func @transform_2(%arg0: i32) -> (i32, i32) {
    %c0_i32 = arith.constant 0 : i32
    %c0_i32_0 = arith.constant 0 : i32
    %c0_i32_1 = arith.constant 0 : i32
    return %c0_i32, %c0_i32_0 : i32, i32
  }
  func.func @transform_3(%arg0: i32) -> (i32, i32) {
    %c0_i32 = arith.constant 0 : i32
    %c0_i32_0 = arith.constant 0 : i32
    %c0_i32_1 = arith.constant 0 : i32
    return %c0_i32, %c0_i32_0 : i32, i32
  }
  func.func @transform_4(%arg0: i32) -> (i32, i32) {
    %c0_i32 = arith.constant 0 : i32
    %c0_i32_0 = arith.constant 0 : i32
    %c0_i32_1 = arith.constant 0 : i32
    return %c0_i32, %c0_i32_0 : i32, i32
  }
  func.func @transform_5(%arg0: i32) -> (i32, i32) {
    %c0_i32 = arith.constant 0 : i32
    %c0_i32_0 = arith.constant 0 : i32
    %c0_i32_1 = arith.constant 0 : i32
    return %c0_i32, %c0_i32_0 : i32, i32
  }
  func.func @transform_6(%arg0: i32) -> (i32, i32) {
    %c0_i32 = arith.constant 0 : i32
    %c0_i32_0 = arith.constant 0 : i32
    %c0_i32_1 = arith.constant 0 : i32
    return %c0_i32, %c0_i32_0 : i32, i32
  }
  func.func @transform_7(%arg0: i32) -> (i32, i32) {
    %c0_i32 = arith.constant 0 : i32
    %c0_i32_0 = arith.constant 0 : i32
    %c0_i32_1 = arith.constant 0 : i32
    return %c0_i32, %c0_i32_0 : i32, i32
  }
  func.func @transform_8(%arg0: i32) -> (i32, i32) {
    %c0_i32 = arith.constant 0 : i32
    %c0_i32_0 = arith.constant 0 : i32
    %c0_i32_1 = arith.constant 0 : i32
    return %c0_i32, %c0_i32_0 : i32, i32
  }
  func.func @transform_9(%arg0: i32) -> (i32, i32) {
    %c0_i32 = arith.constant 0 : i32
    %c0_i32_0 = arith.constant 0 : i32
    %c0_i32_1 = arith.constant 0 : i32
    return %c0_i32, %c0_i32_0 : i32, i32
  }
  func.func @transform_10(%arg0: i32) -> (i32, i32) {
    %c0_i32 = arith.constant 0 : i32
    %c0_i32_0 = arith.constant 0 : i32
    return %arg0, %c0_i32 : i32, i32
  }
}

</mosaic_0001>

<sc_bundles>
// kernel: kernel.10.cloned.1.call-start
scs
__scs_entry_jumppad:
0x0: {  	(pc) =	sbr.rel $0x88, $3  }
0x1: {  	(tag) =	ssettag $0x0;
	lr =	simm.s32 $0x1  }
0x2: {  	[smem:$0x3F91] =	sst lr;
	_ =	strace $0xD0000000  }
0x3: {  	_ = 	snop  }
0x4: {  	_ = 	snop  }
0x5: {  	_ = 	snop  }
0x6: {  	_ = 	snop  }
0x7: {  	_ = 	snop  }
__scs_overlays_trampoline_lowered:
0x8: {  	[smem:$0x3FA0] =	sst s0  }
0x9: {  	[smem:$0x3FA1] =	sst s1  }
0xa: {  	[smem:$0x3FA2] =	sst s2  }
0xb: {  	[smem:$0x3FA3] =	sst s3  }
0xc: {  	[smem:$0x3FA4] =	sst s4  }
0xd: {  	[smem:$0x3FA5] =	sst s5  }
0xe: {  	[smem:$0x3FA6] =	sst s6  }
0xf: {  	[smem:$0x3FA7] =	sst s7  }
0x10: {  	[smem:$0x3FA8] =	sst s8  }
0x11: {  	[smem:$0x3FA9] =	sst s9;
	s0 =	simm.s32 @!p0 $0x0  }
0x12: {  	s1 =	sld [smem:$0x3F8F];
	s0 =	simm.s32 @p0 $0x1  }
0x13: {  	[smem:$0x3FAA] =	sst s0;
	s0 =	simm.s32 @!p1 $0x0  }
0x14: {  	s2 =	sld [smem:$0x3F8E];
	s0 =	simm.s32 @p1 $0x1  }
0x15: {  	[smem:$0x3FAB] =	sst s0;
	s0 =	simm.s32 @!p2 $0x0  }
0x16: {  	s3 =	sld [smem:$0x3FDB];
	s0 =	simm.s32 @p2 $0x1  }
0x17: {  	s4 =	simm.s32 $0x1BF5;
	[smem:$0x3FAD] =	sst s0  }
0x18: {  	s0 =	sld [smem:$0x3F90];
	_ =	swait.ge [sflag:s4], $0x0  }
0x19: {  	s7 =	sld [smem:$0x3F91]  }
0x1a: {  	s8 =	sadd.s32 $0xFFFFE003, lr  }
0x1b: {  	s9 =	sadd.s32 $0xFFFFFEF7, lr;
	s5 =	simm.s32 $0xFFFFFFFF;
	p2 =	slt.u32 s8, $0xFFFFF086  }
0x1c: {  	p1 =	slt.u32 s9, $0xF7A;
	s5 =	simm.s32 @!p2 $0x0  }
0x1d: {  	s5 =	simm.s32 @p1 $0x1;
	p0 =	seq.s32 s7, s2  }
0x1e: {  	s7 =	smul.u32 @!p0 $0xF7A, s2;
	p2 =	seq.s32 @!p0 s5, $0x0  }
0x1f: {  	s9 =	smul.u32 $0xF7A, s1;
	s8 =	simm.s32 @!p0 $0x1BF5;
	p2 =	por !p2, p0  }
0x20: {  	[sflag:s8] =	ssyncset.s32 @!p0 $0xFFFFF086;
	s6 =	sadd.s32 @!p0 s3, s7;
	s7 =	simm.s32 @!p0 $0x108  }
0x21: {  	s3 =	sadd.s32 s3, s9;
	s6 =	sadd.s32 @!p0 $0x88, s6;
	s7 =	simm.s32 @p2 $0x1082  }
0x22: {  	[simem:s7], [sflag:s8] =	dma.local @!p0 [hbm:s6], $0xF7A  }
0x23: {  	s9 =	sor.u32 $0xD0000000, s2;
	s6 =	simm.s32 $0x108;
	_ =	swait.ge @!p0 [sflag:s8], $0x0  }
0x24: {  	s3 =	sadd.s32 $0x88, s3;
	s6 =	simm.s32 @!p1 $0x1082;
	[sflag:s4] =	ssyncset.s32 $0xFFFFF086  }
0x25: {  	[simem:s6], [sflag:s4] =	dma.local [hbm:s3], $0xF7A  }
0x26: {  	[smem:$0x3F91] =	sst s1;
	(tag) =	ssettag s2;
	_ =	strace s9  }
0x27: {  	s1 =	sld [smem:$0x3FA1]  }
0x28: {  	s2 =	sld [smem:$0x3FA2]  }
0x29: {  	s4 =	sld [smem:$0x3FA4]  }
0x2a: {  	p0 =	seq.s32 s5, $0x0;
	s5 =	sld [smem:$0x3FA5]  }
0x2b: {  	s6 =	sld [smem:$0x3FA6]  }
0x2c: {  	s7 =	sld [smem:$0x3FA7]  }
0x2d: {  	s3 =	simm.s32 $0x108;
	s8 =	sld [smem:$0x3FA8]  }
0x2e: {  	s3 =	simm.s32 @!p0 $0x1082;
	s9 =	sld [smem:$0x3FA9]  }
0x2f: {  	lr =	sadd.s32 s0, s3;
	s0 =	sld [smem:$0x3FA0]  }
0x30: {  	s3 =	sld [smem:$0x3FA3]  }
0x31: {  	[smem:$0x3FAC] =	sst s10  }
0x32: {  	s10 =	sld [smem:$0x3FAA];
	_ =	sdelay $0x3  }
0x33: {  	p0 =	seq.s32 s10, $0x1;
	s10 =	sld [smem:$0x3FAC];
	_ =	sdelay $0x3  }
0x34: {  	[smem:$0x3FAC] =	sst s10  }
0x35: {  	s10 =	sld [smem:$0x3FAB];
	_ =	sdelay $0x3  }
0x36: {  	p1 =	seq.s32 s10, $0x1;
	s10 =	sld [smem:$0x3FAC];
	_ =	sdelay $0x3  }
0x37: {  	[smem:$0x3FAC] =	sst s10  }
0x38: {  	s10 =	sld [smem:$0x3FAD]  }
0x39: {  	_ = 	snop;
	(pc) =	sbr.ind lr, $3  }
0x3a: {  	_ = 	snop  }
0x3b: {  	_ = 	snop  }
0x3c: {  	p2 =	seq.s32 s10, $0x1;
	s10 =	sld [smem:$0x3FAC]  }
0x3d: {  	_ =	shalt  }
0x3e: {  	_ =	shalt  }
0x3f: {  	_ =	shalt  }
0x40: {  	_ =	shalt  }
0x41: {  	_ =	shalt  }
0x42: {  	_ =	shalt  }
0x43: {  	_ =	shalt  }
0x44: {  	_ =	shalt  }
0x45: {  	_ =	shalt  }
0x46: {  	_ =	shalt  }
0x47: {  	_ =	shalt  }
0x48: {  	_ =	shalt  }
0x49: {  	_ =	shalt  }
0x4a: {  	_ =	shalt  }
0x4b: {  	_ =	shalt  }
0x4c: {  	_ =	shalt  }
0x4d: {  	_ =	shalt  }
0x4e: {  	_ =	shalt  }
0x4f: {  	_ =	shalt  }
0x50: {  	_ =	shalt  }
0x51: {  	_ =	shalt  }
0x52: {  	_ =	shalt  }
0x53: {  	_ =	shalt  }
0x54: {  	_ =	shalt  }
0x55: {  	_ =	shalt  }
0x56: {  	_ =	shalt  }
0x57: {  	_ =	shalt  }
0x58: {  	_ =	shalt  }
0x59: {  	_ =	shalt  }
0x5a: {  	_ =	shalt  }
0x5b: {  	_ =	shalt  }
0x5c: {  	_ =	shalt  }
0x5d: {  	_ =	shalt  }
0x5e: {  	_ =	shalt  }
0x5f: {  	_ =	shalt  }
0x60: {  	_ =	shalt  }
0x61: {  	_ =	shalt  }
0x62: {  	_ =	shalt  }
0x63: {  	_ =	shalt  }
0x64: {  	_ =	shalt  }
0x65: {  	_ =	shalt  }
0x66: {  	_ =	shalt  }
0x67: {  	_ =	shalt  }
0x68: {  	_ =	shalt  }
0x69: {  	_ =	shalt  }
0x6a: {  	_ =	shalt  }
0x6b: {  	_ =	shalt  }
0x6c: {  	_ =	shalt  }
0x6d: {  	_ =	shalt  }
0x6e: {  	_ =	shalt  }
0x6f: {  	_ =	shalt  }
0x70: {  	_ =	shalt  }
0x71: {  	_ =	shalt  }
0x72: {  	_ =	shalt  }
0x73: {  	_ =	shalt  }
0x74: {  	_ =	shalt  }
0x75: {  	_ =	shalt  }
0x76: {  	_ =	shalt  }
0x77: {  	_ =	shalt  }
0x78: {  	_ =	shalt  }
0x79: {  	_ =	shalt  }
0x7a: {  	_ =	shalt  }
0x7b: {  	_ =	shalt  }
0x7c: {  	_ =	shalt  }
0x7d: {  	_ =	shalt  }
0x7e: {  	_ =	shalt  }
0x7f: {  	_ =	shalt  }
0x80: {  	_ =	shalt  }
0x81: {  	_ =	shalt  }
0x82: {  	_ =	shalt  }
0x83: {  	_ =	shalt  }
0x84: {  	_ =	shalt  }
0x85: {  	_ =	shalt  }
0x86: {  	_ =	shalt  }
0x87: {  	_ =	shalt  }
.Lfunc_end0:
.L_simem_size_0:
called_computation.1_lowered:
.L_overlay_start_0:
0x88: {  	s2 =	sld [smem:$0x3FD9]  }
0x89: {  	s3 =	sld [smem:$0x3FFE];
	_ =	sdelay $0x1  }
0x8a: {  	s1 =	srdreg.scid  }
0x8b: {  	s0 =	sand.u32 $0x1, s1  }
0x8c: {  	s16 =	sshll.u32 s0, $0xA;
	s2 =	sadd.s32 s3, s2  }
0x8d: {  	s2 =	sadd.s32 s2, s16  }
0x8e: {  	[smem:$0x3FB8] =	sst s2  }
0x8f: {  	_ = 	snop  }
0x90: {  	(tm) =	ssettm $0x1  }
0x91: {  	s17 =	sld [smem:$0x3FFB];
	_ =	sdelay $0x3  }
0x92: {  	_ =	strace s17  }
0x93: {  	s2 =	sld [smem:$0x3FFC];
	_ =	sdelay $0x3  }
0x94: {  	_ =	strace s2  }
0x95: {  	s2 =	sld [smem:$0x3FFD];
	_ =	sdelay $0x3  }
0x96: {  	_ =	strace s2  }
0x97: {  	_ =	strace $0x8FFFFFFF  }
0x98: {  	s18 =	sld [smem:$0x3FDB];
	_ =	sdelay $0x1  }
0x99: {  	s19 =	simm.s32 $_scs_section_size  }
0x9a: {  	s4 =	simm.s32 $_size__tile_overlayer_lowered;
	s5 =	simm.s32 $_tile_overlayer_lowered  }
0x9b: {  	s22 =	simm.s32 $0x1BFF;
	s21 =	sshll.u32 s5, $0x1;
	s2 =	sadd.s32 s19, s18  }
0x9c: {  	s6 =	simm.s32 $0x0;
	s20 =	sshll.u32 s4, $0x1;
	s4 =	sadd.s32 s21, s2  }
0x9d: {  	[timem:s6], [sflag:s22] =	dma.local [hbm:s4], s20  }
0x9e: {  	_ =	swait.ge [sflag:s22], s20  }
0x9f: {  	s3 =	ssub.s32 $0x0, s20;
	[sflag:s22] =	ssyncset.done $0x0  }
0xa0: {  	[sflag:s22] =	ssyncadd.s32 s3;
	_ =	sdelay $0x1  }
0xa1: {  	s23 =	simm.s32 $0x1B8B  }
0xa2: {  	_ =	swait.ge [sflag:s23], $0x1  }
0xa3: {  	[sflag:s23] =	ssyncset.done $0x0  }
0xa4: {  	s25 =	simm.s32 $0x1B8E;
	s24 =	sld [smem:$0x3FFE];
	[sflag:s23] =	ssyncadd.s32 $0xFFFFFFFF  }
0xa5: {  	s26 =	simm.s32 $execute0_lowered;
	[smem:$0x3FD2] =	sst s25  }
0xa6: {  	s4 =	sshll.u32 s26, $0x1;
	_ =	strace $0x80000049;
	[dreg:$0x1] =	wrdreg $0xFFFFFFFF  }
0xa7: {  	s28 =	simm.s32 $_size_execute0_lowered;
	s2 =	sadd.s32 s2, s4;
	[dreg:$0x0] =	wrdreg $0x0  }
0xa8: {  	s4 =	sshll.u32 s28, $0x1;
	[dreg:$0x2] =	wrdreg s2  }
0xa9: {  	[dreg:$0x3] =	wrdreg s4  }
0xaa: {  	[dreg:$0x4] =	wrdreg $0xC0  }
0xab: {  	_ =	task [dreg:s6], $0x5FFFF  }
0xac: {  	[dreg:$0x1] =	wrdreg $0xFFFFFFFF  }
0xad: {  	[dreg:$0x0] =	wrdreg $0x60  }
0xae: {  	[dreg:$0x2] =	wrdreg s24  }
0xaf: {  	[dreg:$0x3] =	wrdreg $0xA8000  }
0xb0: {  	[dreg:$0x4] =	wrdreg $0x9  }
0xb1: {  	_ =	task.clear_ibuf [dreg:s6], $0x5FFFF;
	_ =	strace $0x90000049  }
0xb2: {  	s29 =	simm.s32 $0x9;
	_ =	strace $0x8000004B  }
0xb3: {  	_ =	swait.ge [sflag:s29], $0x1  }
0xb4: {  	[sflag:s29] =	ssyncadd.s32 $0xFFFFFFFF  }
0xb5: {  	_ =	strace $0x9000004B  }
0xb6: {  	_ =	sfence  }
0xb7: {  	s30 =	sld [smem:$0x0];
	_ =	sdelay $0x2  }
0xb8: {  	s31 =	sshll.u32 s1, $0xD;
	s1 =	sshrl.u32 s1, $0x2  }
0xb9: {  	s3 =	sand.u32 $0x4000, s31;
	s1 =	sadd.s32 s1, s30  }
0xba: {  	s0 =	sor.u32 s3, s0;
	s1 =	sshll.u32 s1, $0x11  }
0xbb: {  	s0 =	sor.u32 s1, s0  }
0xbc: {  	s0 =	sadd.s32 $0x8F2B, s0  }
0xbd: {  	[sflag:s0] =	ssyncadd.remote.s32 $0x1  }
0xbe: {  	_ =	sfence.sel $0xFFFF  }
0xbf: {  	[dreg:$0x0] =	wrdreg $0xFFFFFFFF;
	(pc) =	sbr.abs _section_cstart, $3  }
0xc0: {  	[dreg:$0x1] =	wrdreg $0xFFFFFFFF  }
0xc1: {  	_ =	task.clear_ibuf [dreg:s6], $0x2FFFF;
	_ =	strace $0x9FFFFFFF  }
0xc2: {  	(tm) =	ssettm $0x7FFFFFFF  }
0xc3: {  	_ =	shalt  }
tec
execute0_lowered:
.L_overlay_start_1:
0x0: {  	(tag) =	ssettag $0x1  }
0x1: {  	s5 =	rddreg [dreg:$0x0]  }
0x2: {  	s2 =	rddreg [dreg:$0x1];
	s0 =	stileid.u32  }
0x3: {  	s4 =	srdreg.scid;
	s1 =	rddreg [dreg:$0x2]  }
0x4: {  	s3 =	simm.s32 $0x0;
	s15 =	simm.s32 $0x5;
	s16 =	simm.s32 $0x80  }
0x5: {  	s17 =	simm.s32 $0x2800;
	s18 =	simm.s32 $0x1;
	s19 =	simm.s32 $0x6800  }
0x6: {  	s20 =	simm.s32 $0x2;
	s21 =	simm.s32 $0x1480;
	s22 =	simm.s32 $0x3  }
0x7: {  	s23 =	simm.s32 $0x100;
	s24 =	simm.s32 $0x4;
	s6 =	smul.u32 $0x1400, s0  }
0x8: {  	s26 =	simm.s32 $0x0;
	s7 =	sand.u32 $0x1, s4;
	s9 =	smul.u32 $0x13C00, s0  }
0x9: {  	[smem:$0x7FF] =	sst s3;
	s4 =	sadd.s32 $0xC400, s5;
	s29 =	smul.u32 $0x4F000, s0  }
0xa: {  	s11 =	sadd.s32 $0x5AE00, s5;
	s31 =	sshll.u32 s0, $0x6;
	s25 =	sadd.s32 $0x128400, s2  }
0xb: {  	p0 =	seq.s32 s7, $0x0;
	_ =	strace $0x8000004A;
	s30 =	ssub.s32 $0x2, s7  }
0xc: {  	s13 =	smul.u32 $0x138800, s7;
	s7 =	sor.u32 $0x1C05, s31;
	s8 =	sadd.s32 $0x14000, s6  }
0xd: {  	s28 =	sshrl.u32 s9, $0x3;
	s12 =	sshrl.u32 s30, $0x1;
	s8 =	smov.u32 @p0 s6  }
0xe: {  	s12 =	ssub.s32 s30, s12;
	s9 =	sadd.s32 s9, s13;
	s13 =	sshrl.u32 s13, $0x3  }
0xf: {  	p0 =	seq.s32 s0, $0xF;
	s6 =	sshrl.u32 s8, $0x3;
	s8 =	sshrl.u32 s29, $0x2  }
.Ltmp0:
0x10: {  	s14 =	sshrl.u32 s9, $0x3;
	s12 =	smax.u32 s12, $0x1;
	(pc) =	sbr.rel .LBB2_1-.Ltmp0, $4  }
0x11: {  	s25 =	sshrl.u32 @p0 s25, $0x3;
	s10 =	sadd.s32 s6, s5;
	s6 =	sadd.s32 s28, s5  }
0x12: {  	s5 =	sadd.s32 s8, s2;
	s6 =	sadd.s32 $0x33600, s6;
	s8 =	sadd.s32 $0x7400, s10  }
0x13: {  	s9 =	sadd.s32 $0x2400, s10;
	s10 =	sadd.s32 s11, s14;
	s11 =	sadd.s32 s11, s13  }
0x14: {  	s13 =	sshrl.u32 s5, $0x3;
	s14 =	simm.s32 $0x1400;
	s11 =	sadd.s32 $0x25080, s11  }
.LBB2_4:
0x15: {  	_ =	swait.ge [sflag:s24], $0x4000  }
0x16: {  	[sflag:s24] =	ssyncset.done $0x0  }
0x17: {  	[sflag:s24] =	ssyncadd.s32 $0xFFFFC000  }
0x18: {  	s28 =	simm.s32 @p0 $0x1FC6;
	[bflag:$0x0] =	sbarrier.arrive $0xFFFF  }
0x19: {  	[hbm:s11], [sflag:s28] =	dma.local @p0 [spmem:s25], $0x2080  }
0x1a: {  	s28 =	simm.s32 @p0 $0x6  }
0x1b: {  	s26 =	sadd.s32 $0x1, s26;
	_ =	swait.ge @p0 [sflag:s28], $0x2080  }
0x1c: {  	s29 =	sshll.u32 @!p0 s0, $0x6;
	p1 =	sne.s32 s26, s12;
	[sflag:s28] =	ssyncset.done @p0 $0x0  }
0x1d: {  	[sflag:s28] =	ssyncadd.s32 @p0 $0xFFFFDF80;
	s28 =	sor.u32 @!p0 $0x1C06, s29;
	s29 =	sshrl.u32 @!p0 s5, $0x3  }
0x1e: {  	[hbm:s10], [sflag:s28] =	dma.local @!p0 [spmem:s29], $0x2780  }
.Ltmp1:
0x1f: {  	_ = 	snop;
	(pc) =	sbr.rel @!p1 .LBB2_5-.Ltmp1, $4  }
0x20: {  	s28 =	simm.s32 @!p0 $0x6  }
0x21: {  	_ =	swait.ge @!p0 [sflag:s28], $0x2780  }
0x22: {  	[sflag:s28] =	ssyncset.done @!p0 $0x0  }
0x23: {  	[sflag:s28] =	ssyncadd.s32 @!p0 $0xFFFFD880  }
.LBB2_1:
0x24: {  	[spmem:s13], [sflag:s7] =	dma.local [hbm:s6], $0x2780  }
0x25: {  	[tilespmem:s3], [sflag:$0x5] =	stream.linear.gather [hbm4b:s8+s3], $0x1400, $0x38;
	[tilespmem:$0x1E400] =	vst v63  }
0x26: {  	_ = 	snop  }
0x27: {  	[tilespmem:s14], [sflag:$0x5] =	stream.linear.gather [hbm4b:s9+s3], $0x1400, $0x38;
	[tilespmem:$0x1E400] =	vst v63  }
0x28: {  	_ =	swait.ge [sflag:s15], $0x2780  }
0x29: {  	[sflag:s15] =	ssyncset.done $0x0  }
0x2a: {  	[sflag:s15] =	ssyncadd.s32 $0xFFFFD880  }
0x2b: {  	_ =	swait.ge [sflag:s15], $0x1400  }
0x2c: {  	[sflag:s15] =	ssyncset.done $0x0  }
0x2d: {  	[sflag:s15] =	ssyncadd.s32 $0xFFFFEC00  }
0x2e: {  	_ =	swait.ge [sflag:s15], $0x1400  }
0x2f: {  	[sflag:s15] =	ssyncset.done $0x0  }
0x30: {  	[sflag:s15] =	ssyncadd.s32 $0xFFFFEC00  }
0x31: {  	[bflag:$0x0] =	sbarrier.arrive $0xFFFF  }
0x32: {  	[tilespmem:s17], [sflag:$0x1] =	stream.indirect.gather [hbm4b:s4+s16], $0x80, s3, s16, $0xb8;
	[tilespmem:$0x1E400] =	vst v63  }
0x33: {  	_ =	swait.ge [sflag:s18], $0x4000  }
0x34: {  	[sflag:s18] =	ssyncset.done $0x0  }
0x35: {  	[sflag:s18] =	ssyncadd.s32 $0xFFFFC000  }
0x36: {  	[spmem:s2] =	stream.indirect.scatter.add.f32 [tilespmem:s17], [sflag:$0x3], $0x80, s14, s16, $0xb8;
	[tilespmem:$0x1E400] =	vst v63  }
0x37: {  	_ = 	snop  }
0x38: {  	[tilespmem:s19], [sflag:$0x2] =	stream.indirect.gather [hbm4b:s4+s16], $0x80, s16, s16, $0xb8;
	[tilespmem:$0x1E400] =	vst v63  }
0x39: {  	_ =	swait.ge [sflag:s20], $0x4000  }
0x3a: {  	[sflag:s20] =	ssyncset.done $0x0  }
0x3b: {  	[sflag:s20] =	ssyncadd.s32 $0xFFFFC000  }
0x3c: {  	[spmem:s2] =	stream.indirect.scatter.add.f32 [tilespmem:s19], [sflag:$0x4], $0x80, s21, s16, $0xb8;
	[tilespmem:$0x1E400] =	vst v63  }
0x3d: {  	_ =	swait.ge [sflag:s22], $0x4000  }
0x3e: {  	[sflag:s22] =	ssyncset.done $0x0  }
0x3f: {  	s28 =	simm.s32 $0xFFFFB800;
	[sflag:s22] =	ssyncadd.s32 $0xFFFFC000  }
0x40: {  	[tilespmem:s17], [sflag:$0x1] =	stream.indirect.gather [hbm4b:s4+s16], $0x80, s23, s16, $0xb8;
	[tilespmem:$0x1E400] =	vst v63  }
.LBB2_2:
0x41: {  	_ =	swait.ge [sflag:s18], $0x4000  }
0x42: {  	s29 =	sshra.s32 s28, $0x2;
	[sflag:s18] =	ssyncset.done $0x0  }
0x43: {  	s30 =	sadd.s32 $0x2700, s29;
	[sflag:s18] =	ssyncadd.s32 $0xFFFFC000  }
0x44: {  	[spmem:s2] =	stream.indirect.scatter.add.f32 [tilespmem:s17], [sflag:$0x3], $0x80, s30, s16, $0xb8;
	[tilespmem:$0x1E400] =	vst v63  }
0x45: {  	_ =	swait.ge [sflag:s24], $0x4000  }
0x46: {  	[sflag:s24] =	ssyncset.done $0x0  }
0x47: {  	s31 =	sadd.s32 $0x1380, s29;
	[sflag:s24] =	ssyncadd.s32 $0xFFFFC000  }
0x48: {  	[tilespmem:s19], [sflag:$0x2] =	stream.indirect.gather [hbm4b:s4+s16], $0x80, s31, s16, $0xb8;
	[tilespmem:$0x1E400] =	vst v63  }
0x49: {  	_ =	swait.ge [sflag:s20], $0x4000  }
0x4a: {  	p1 =	seq.s32 s28, $0x0;
	[sflag:s20] =	ssyncset.done $0x0  }
.Ltmp2:
0x4b: {  	s31 =	sadd.s32 $0x2780, s29;
	[sflag:s20] =	ssyncadd.s32 $0xFFFFC000;
	(pc) =	sbr.rel @p1 .LBB2_4-.Ltmp2, $4  }
0x4c: {  	[spmem:s2] =	stream.indirect.scatter.add.f32 [tilespmem:s19], [sflag:$0x4], $0x80, s31, s16, $0xb8;
	[tilespmem:$0x1E400] =	vst v63  }
0x4d: {  	_ =	swait.ge [sflag:s22], $0x4000  }
0x4e: {  	[sflag:s22] =	ssyncset.done $0x0  }
0x4f: {  	[sflag:s22] =	ssyncadd.s32 $0xFFFFC000  }
.Ltmp3:
0x50: {  	(pc) =	sbr.rel .LBB2_2-.Ltmp3, $3  }
0x51: {  	_ =	sdelay $0x1  }
0x52: {  	s29 =	sadd.s32 $0x1400, s29;
	s28 =	sadd.s32 $0x400, s28  }
0x53: {  	[tilespmem:s17], [sflag:$0x1] =	stream.indirect.gather [hbm4b:s4+s16], $0x80, s29, s16, $0xb8;
	[tilespmem:$0x1E400] =	vst v63  }
.LBB2_5:
0x54: {  	_ =	sfence.sel $0x180000  }
0x55: {  	[bflag:$0x0] =	sbarrier.arrive $0xFFFF  }
0x56: {  	p0 =	sne.s32 s0, $0x0;
	_ =	strace $0x9000004A  }
0x57: {  	s0 =	sadd.s32 @!p0 $0x100000, s1;
	[bflag:$0x2] =	sbarrier.arrive $0xFFFF  }
0x58: {  	[sflag:s0] =	ssyncadd.tile.s32 @!p0 $0x1;
	_ =	shalt  }
.Lfunc_end2:
_tile_overlayer_lowered:
.L_overlay_start_2:
0x59: {  	(tag) =	ssettag $0x2  }
0x5a: {  	s0 =	rddreg [dreg:$0x0];
	s2 =	stileid.u32  }
0x5b: {  	s1 =	rddreg [dreg:$0x1];
	p0 =	sne.s32 s2, $0x0  }
0x5c: {  	s3 =	rddreg [dreg:$0x2];
	[bflag:$0x3] =	sbarrier.arrive $0xFFFF;
	s2 =	simm.s32 @!p0 $0x1C06  }
0x5d: {  	[timem:s3], [sflag:s2] =	dma.local @!p0 [hbm:s0], s1  }
0x5e: {  	s0 =	simm.s32 @!p0 $0x6  }
0x5f: {  	_ =	swait.ge @!p0 [sflag:s0], s1  }
0x60: {  	s1 =	ssub.s32 @!p0 $0x0, s1;
	[sflag:s0] =	ssyncset.done @!p0 $0x0  }
0x61: {  	[sflag:s0] =	ssyncadd.s32 @!p0 s1  }
0x62: {  	[bflag:$0x3] =	sbarrier.arrive $0xFFFF  }
0x63: {  	_ =	shalt  }

// kernel: kernel.7.cloned.1.call-start
scs
__scs_entry_jumppad:
0x0: {  	(pc) =	sbr.rel $0x88, $3  }
0x1: {  	(tag) =	ssettag $0x0;
	lr =	simm.s32 $0x1  }
0x2: {  	[smem:$0x3F91] =	sst lr;
	_ =	strace $0xD0000000  }
0x3: {  	_ = 	snop  }
0x4: {  	_ = 	snop  }
0x5: {  	_ = 	snop  }
0x6: {  	_ = 	snop  }
0x7: {  	_ = 	snop  }
__scs_overlays_trampoline_lowered:
0x8: {  	[smem:$0x3FA0] =	sst s0  }
0x9: {  	[smem:$0x3FA1] =	sst s1  }
0xa: {  	[smem:$0x3FA2] =	sst s2  }
0xb: {  	[smem:$0x3FA3] =	sst s3  }
0xc: {  	[smem:$0x3FA4] =	sst s4  }
0xd: {  	[smem:$0x3FA5] =	sst s5  }
0xe: {  	[smem:$0x3FA6] =	sst s6  }
0xf: {  	[smem:$0x3FA7] =	sst s7  }
0x10: {  	[smem:$0x3FA8] =	sst s8  }
0x11: {  	[smem:$0x3FA9] =	sst s9;
	s0 =	simm.s32 @!p0 $0x0  }
0x12: {  	s1 =	sld [smem:$0x3F8F];
	s0 =	simm.s32 @p0 $0x1  }
0x13: {  	[smem:$0x3FAA] =	sst s0;
	s0 =	simm.s32 @!p1 $0x0  }
0x14: {  	s2 =	sld [smem:$0x3F8E];
	s0 =	simm.s32 @p1 $0x1  }
0x15: {  	[smem:$0x3FAB] =	sst s0;
	s0 =	simm.s32 @!p2 $0x0  }
0x16: {  	s3 =	sld [smem:$0x3FDB];
	s0 =	simm.s32 @p2 $0x1  }
0x17: {  	s4 =	simm.s32 $0x1BF5;
	[smem:$0x3FAD] =	sst s0  }
0x18: {  	s0 =	sld [smem:$0x3F90];
	_ =	swait.ge [sflag:s4], $0x0  }
0x19: {  	s7 =	sld [smem:$0x3F91]  }
0x1a: {  	s8 =	sadd.s32 $0xFFFFE003, lr  }
0x1b: {  	s9 =	sadd.s32 $0xFFFFFEF7, lr;
	s5 =	simm.s32 $0xFFFFFFFF;
	p2 =	slt.u32 s8, $0xFFFFF086  }
0x1c: {  	p1 =	slt.u32 s9, $0xF7A;
	s5 =	simm.s32 @!p2 $0x0  }
0x1d: {  	s5 =	simm.s32 @p1 $0x1;
	p0 =	seq.s32 s7, s2  }
0x1e: {  	s7 =	smul.u32 @!p0 $0xF7A, s2;
	p2 =	seq.s32 @!p0 s5, $0x0  }
0x1f: {  	s9 =	smul.u32 $0xF7A, s1;
	s8 =	simm.s32 @!p0 $0x1BF5;
	p2 =	por !p2, p0  }
0x20: {  	[sflag:s8] =	ssyncset.s32 @!p0 $0xFFFFF086;
	s6 =	sadd.s32 @!p0 s3, s7;
	s7 =	simm.s32 @!p0 $0x108  }
0x21: {  	s3 =	sadd.s32 s3, s9;
	s6 =	sadd.s32 @!p0 $0x88, s6;
	s7 =	simm.s32 @p2 $0x1082  }
0x22: {  	[simem:s7], [sflag:s8] =	dma.local @!p0 [hbm:s6], $0xF7A  }
0x23: {  	s9 =	sor.u32 $0xD0000000, s2;
	s6 =	simm.s32 $0x108;
	_ =	swait.ge @!p0 [sflag:s8], $0x0  }
0x24: {  	s3 =	sadd.s32 $0x88, s3;
	s6 =	simm.s32 @!p1 $0x1082;
	[sflag:s4] =	ssyncset.s32 $0xFFFFF086  }
0x25: {  	[simem:s6], [sflag:s4] =	dma.local [hbm:s3], $0xF7A  }
0x26: {  	[smem:$0x3F91] =	sst s1;
	(tag) =	ssettag s2;
	_ =	strace s9  }
0x27: {  	s1 =	sld [smem:$0x3FA1]  }
0x28: {  	s2 =	sld [smem:$0x3FA2]  }
0x29: {  	s4 =	sld [smem:$0x3FA4]  }
0x2a: {  	p0 =	seq.s32 s5, $0x0;
	s5 =	sld [smem:$0x3FA5]  }
0x2b: {  	s6 =	sld [smem:$0x3FA6]  }
0x2c: {  	s7 =	sld [smem:$0x3FA7]  }
0x2d: {  	s3 =	simm.s32 $0x108;
	s8 =	sld [smem:$0x3FA8]  }
0x2e: {  	s3 =	simm.s32 @!p0 $0x1082;
	s9 =	sld [smem:$0x3FA9]  }
0x2f: {  	lr =	sadd.s32 s0, s3;
	s0 =	sld [smem:$0x3FA0]  }
0x30: {  	s3 =	sld [smem:$0x3FA3]  }
0x31: {  	[smem:$0x3FAC] =	sst s10  }
0x32: {  	s10 =	sld [smem:$0x3FAA];
	_ =	sdelay $0x3  }
0x33: {  	p0 =	seq.s32 s10, $0x1;
	s10 =	sld [smem:$0x3FAC];
	_ =	sdelay $0x3  }
0x34: {  	[smem:$0x3FAC] =	sst s10  }
0x35: {  	s10 =	sld [smem:$0x3FAB];
	_ =	sdelay $0x3  }
0x36: {  	p1 =	seq.s32 s10, $0x1;
	s10 =	sld [smem:$0x3FAC];
	_ =	sdelay $0x3  }
0x37: {  	[smem:$0x3FAC] =	sst s10  }
0x38: {  	s10 =	sld [smem:$0x3FAD]  }
0x39: {  	_ = 	snop;
	(pc) =	sbr.ind lr, $3  }
0x3a: {  	_ = 	snop  }
0x3b: {  	_ = 	snop  }
0x3c: {  	p2 =	seq.s32 s10, $0x1;
	s10 =	sld [smem:$0x3FAC]  }
0x3d: {  	_ =	shalt  }
0x3e: {  	_ =	shalt  }
0x3f: {  	_ =	shalt  }
0x40: {  	_ =	shalt  }
0x41: {  	_ =	shalt  }
0x42: {  	_ =	shalt  }
0x43: {  	_ =	shalt  }
0x44: {  	_ =	shalt  }
0x45: {  	_ =	shalt  }
0x46: {  	_ =	shalt  }
0x47: {  	_ =	shalt  }
0x48: {  	_ =	shalt  }
0x49: {  	_ =	shalt  }
0x4a: {  	_ =	shalt  }
0x4b: {  	_ =	shalt  }
0x4c: {  	_ =	shalt  }
0x4d: {  	_ =	shalt  }
0x4e: {  	_ =	shalt  }
0x4f: {  	_ =	shalt  }
0x50: {  	_ =	shalt  }
0x51: {  	_ =	shalt  }
0x52: {  	_ =	shalt  }
0x53: {  	_ =	shalt  }
0x54: {  	_ =	shalt  }
0x55: {  	_ =	shalt  }
0x56: {  	_ =	shalt  }
0x57: {  	_ =	shalt  }
0x58: {  	_ =	shalt  }
0x59: {  	_ =	shalt  }
0x5a: {  	_ =	shalt  }
0x5b: {  	_ =	shalt  }
0x5c: {  	_ =	shalt  }
0x5d: {  	_ =	shalt  }
0x5e: {  	_ =	shalt  }
0x5f: {  	_ =	shalt  }
0x60: {  	_ =	shalt  }
0x61: {  	_ =	shalt  }
0x62: {  	_ =	shalt  }
0x63: {  	_ =	shalt  }
0x64: {  	_ =	shalt  }
0x65: {  	_ =	shalt  }
0x66: {  	_ =	shalt  }
0x67: {  	_ =	shalt  }
0x68: {  	_ =	shalt  }
0x69: {  	_ =	shalt  }
0x6a: {  	_ =	shalt  }
0x6b: {  	_ =	shalt  }
0x6c: {  	_ =	shalt  }
0x6d: {  	_ =	shalt  }
0x6e: {  	_ =	shalt  }
0x6f: {  	_ =	shalt  }
0x70: {  	_ =	shalt  }
0x71: {  	_ =	shalt  }
0x72: {  	_ =	shalt  }
0x73: {  	_ =	shalt  }
0x74: {  	_ =	shalt  }
0x75: {  	_ =	shalt  }
0x76: {  	_ =	shalt  }
0x77: {  	_ =	shalt  }
0x78: {  	_ =	shalt  }
0x79: {  	_ =	shalt  }
0x7a: {  	_ =	shalt  }
0x7b: {  	_ =	shalt  }
0x7c: {  	_ =	shalt  }
0x7d: {  	_ =	shalt  }
0x7e: {  	_ =	shalt  }
0x7f: {  	_ =	shalt  }
0x80: {  	_ =	shalt  }
0x81: {  	_ =	shalt  }
0x82: {  	_ =	shalt  }
0x83: {  	_ =	shalt  }
0x84: {  	_ =	shalt  }
0x85: {  	_ =	shalt  }
0x86: {  	_ =	shalt  }
0x87: {  	_ =	shalt  }
.Lfunc_end0:
.L_simem_size_0:
called_computation_lowered:
.L_overlay_start_0:
0x88: {  	s2 =	sld [smem:$0x3FD9]  }
0x89: {  	s3 =	sld [smem:$0x3FFE];
	_ =	sdelay $0x1  }
0x8a: {  	s1 =	srdreg.scid  }
0x8b: {  	s0 =	sand.u32 $0x1, s1  }
0x8c: {  	s16 =	sshll.u32 s0, $0xA;
	s2 =	sadd.s32 s3, s2  }
0x8d: {  	s2 =	sadd.s32 s2, s16  }
0x8e: {  	[smem:$0x3FB8] =	sst s2  }
0x8f: {  	_ = 	snop  }
0x90: {  	(tm) =	ssettm $0x1  }
0x91: {  	s17 =	sld [smem:$0x3FFB];
	_ =	sdelay $0x3  }
0x92: {  	_ =	strace s17  }
0x93: {  	s2 =	sld [smem:$0x3FFC];
	_ =	sdelay $0x3  }
0x94: {  	_ =	strace s2  }
0x95: {  	s2 =	sld [smem:$0x3FFD];
	_ =	sdelay $0x3  }
0x96: {  	_ =	strace s2  }
0x97: {  	_ =	strace $0x8FFFFFFF  }
0x98: {  	s18 =	sld [smem:$0x3FDB];
	_ =	sdelay $0x1  }
0x99: {  	s19 =	simm.s32 $_scs_section_size  }
0x9a: {  	s4 =	simm.s32 $_size__tile_overlayer_lowered;
	s5 =	simm.s32 $_tile_overlayer_lowered  }
0x9b: {  	s22 =	simm.s32 $0x1BFF;
	s21 =	sshll.u32 s5, $0x1;
	s2 =	sadd.s32 s19, s18  }
0x9c: {  	s6 =	simm.s32 $0x0;
	s20 =	sshll.u32 s4, $0x1;
	s4 =	sadd.s32 s21, s2  }
0x9d: {  	[timem:s6], [sflag:s22] =	dma.local [hbm:s4], s20  }
0x9e: {  	_ =	swait.ge [sflag:s22], s20  }
0x9f: {  	s3 =	ssub.s32 $0x0, s20;
	[sflag:s22] =	ssyncset.done $0x0  }
0xa0: {  	[sflag:s22] =	ssyncadd.s32 s3;
	_ =	sdelay $0x1  }
0xa1: {  	s23 =	simm.s32 $0x1B8B  }
0xa2: {  	_ =	swait.ge [sflag:s23], $0x1  }
0xa3: {  	[sflag:s23] =	ssyncset.done $0x0  }
0xa4: {  	s25 =	simm.s32 $0x1B8E;
	s24 =	sld [smem:$0x3FFE];
	[sflag:s23] =	ssyncadd.s32 $0xFFFFFFFF  }
0xa5: {  	s26 =	simm.s32 $execute0_lowered;
	[smem:$0x3FD2] =	sst s25  }
0xa6: {  	s4 =	sshll.u32 s26, $0x1;
	_ =	strace $0x80000046;
	[dreg:$0x1] =	wrdreg $0xFFFFFFFF  }
0xa7: {  	s28 =	simm.s32 $_size_execute0_lowered;
	s2 =	sadd.s32 s2, s4;
	[dreg:$0x0] =	wrdreg $0x0  }
0xa8: {  	s4 =	sshll.u32 s28, $0x1;
	[dreg:$0x2] =	wrdreg s2  }
0xa9: {  	[dreg:$0x3] =	wrdreg s4  }
0xaa: {  	[dreg:$0x4] =	wrdreg $0xC0  }
0xab: {  	_ =	task [dreg:s6], $0x5FFFF  }
0xac: {  	[dreg:$0x1] =	wrdreg $0xFFFFFFFF  }
0xad: {  	[dreg:$0x0] =	wrdreg $0x60  }
0xae: {  	[dreg:$0x2] =	wrdreg s24  }
0xaf: {  	[dreg:$0x3] =	wrdreg $0xA8000  }
0xb0: {  	[dreg:$0x4] =	wrdreg $0x9  }
0xb1: {  	_ =	task.clear_ibuf [dreg:s6], $0x5FFFF;
	_ =	strace $0x90000046  }
0xb2: {  	s29 =	simm.s32 $0x9;
	_ =	strace $0x80000048  }
0xb3: {  	_ =	swait.ge [sflag:s29], $0x1  }
0xb4: {  	[sflag:s29] =	ssyncadd.s32 $0xFFFFFFFF  }
0xb5: {  	_ =	strace $0x90000048  }
0xb6: {  	_ =	sfence  }
0xb7: {  	s30 =	sld [smem:$0x0];
	_ =	sdelay $0x2  }
0xb8: {  	s31 =	sshll.u32 s1, $0xD;
	s1 =	sshrl.u32 s1, $0x2  }
0xb9: {  	s3 =	sand.u32 $0x4000, s31;
	s1 =	sadd.s32 s1, s30  }
0xba: {  	s0 =	sor.u32 s3, s0;
	s1 =	sshll.u32 s1, $0x11  }
0xbb: {  	s0 =	sor.u32 s1, s0  }
0xbc: {  	s0 =	sadd.s32 $0x8F2B, s0  }
0xbd: {  	[sflag:s0] =	ssyncadd.remote.s32 $0x1  }
0xbe: {  	_ =	sfence.sel $0xFFFF  }
0xbf: {  	[dreg:$0x0] =	wrdreg $0xFFFFFFFF;
	(pc) =	sbr.abs _section_cstart, $3  }
0xc0: {  	[dreg:$0x1] =	wrdreg $0xFFFFFFFF  }
0xc1: {  	_ =	task.clear_ibuf [dreg:s6], $0x2FFFF;
	_ =	strace $0x9FFFFFFF  }
0xc2: {  	(tm) =	ssettm $0x7FFFFFFF  }
0xc3: {  	_ =	shalt  }
tec
execute0_lowered:
.L_overlay_start_1:
0x0: {  	(tag) =	ssettag $0x1  }
0x1: {  	s5 =	rddreg [dreg:$0x0]  }
0x2: {  	s2 =	rddreg [dreg:$0x1];
	s0 =	stileid.u32  }
0x3: {  	s4 =	srdreg.scid;
	s1 =	rddreg [dreg:$0x2]  }
0x4: {  	s3 =	simm.s32 $0x0;
	s15 =	simm.s32 $0x5;
	s16 =	simm.s32 $0x80  }
0x5: {  	s17 =	simm.s32 $0x2800;
	s18 =	simm.s32 $0x1;
	s19 =	simm.s32 $0x6800  }
0x6: {  	s20 =	simm.s32 $0x2;
	s21 =	simm.s32 $0x1480;
	s22 =	simm.s32 $0x3  }
0x7: {  	s23 =	simm.s32 $0x100;
	s24 =	simm.s32 $0x4;
	s6 =	smul.u32 $0x1400, s0  }
0x8: {  	s26 =	simm.s32 $0x0;
	s7 =	sand.u32 $0x1, s4;
	s9 =	smul.u32 $0x13C00, s0  }
0x9: {  	[smem:$0x7FF] =	sst s3;
	s4 =	sadd.s32 $0xC400, s5;
	s29 =	smul.u32 $0x4F000, s0  }
0xa: {  	s11 =	sadd.s32 $0x5AE00, s5;
	s31 =	sshll.u32 s0, $0x6;
	s25 =	sadd.s32 $0x128400, s2  }
0xb: {  	p0 =	seq.s32 s7, $0x0;
	_ =	strace $0x80000047;
	s30 =	ssub.s32 $0x2, s7  }
0xc: {  	s13 =	smul.u32 $0x138800, s7;
	s7 =	sor.u32 $0x1C05, s31;
	s8 =	sadd.s32 $0x14000, s6  }
0xd: {  	s28 =	sshrl.u32 s9, $0x3;
	s12 =	sshrl.u32 s30, $0x1;
	s8 =	smov.u32 @p0 s6  }
0xe: {  	s12 =	ssub.s32 s30, s12;
	s9 =	sadd.s32 s9, s13;
	s13 =	sshrl.u32 s13, $0x3  }
0xf: {  	p0 =	seq.s32 s0, $0xF;
	s6 =	sshrl.u32 s8, $0x3;
	s8 =	sshrl.u32 s29, $0x2  }
.Ltmp0:
0x10: {  	s14 =	sshrl.u32 s9, $0x3;
	s12 =	smax.u32 s12, $0x1;
	(pc) =	sbr.rel .LBB2_1-.Ltmp0, $4  }
0x11: {  	s25 =	sshrl.u32 @p0 s25, $0x3;
	s10 =	sadd.s32 s6, s5;
	s6 =	sadd.s32 s28, s5  }
0x12: {  	s5 =	sadd.s32 s8, s2;
	s6 =	sadd.s32 $0x33600, s6;
	s8 =	sadd.s32 $0x7400, s10  }
0x13: {  	s9 =	sadd.s32 $0x2400, s10;
	s10 =	sadd.s32 s11, s14;
	s11 =	sadd.s32 s11, s13  }
0x14: {  	s13 =	sshrl.u32 s5, $0x3;
	s14 =	simm.s32 $0x1400;
	s11 =	sadd.s32 $0x25080, s11  }
.LBB2_4:
0x15: {  	_ =	swait.ge [sflag:s24], $0x4000  }
0x16: {  	[sflag:s24] =	ssyncset.done $0x0  }
0x17: {  	[sflag:s24] =	ssyncadd.s32 $0xFFFFC000  }
0x18: {  	s28 =	simm.s32 @p0 $0x1FC6;
	[bflag:$0x0] =	sbarrier.arrive $0xFFFF  }
0x19: {  	[hbm:s11], [sflag:s28] =	dma.local @p0 [spmem:s25], $0x2080  }
0x1a: {  	s28 =	simm.s32 @p0 $0x6  }
0x1b: {  	s26 =	sadd.s32 $0x1, s26;
	_ =	swait.ge @p0 [sflag:s28], $0x2080  }
0x1c: {  	s29 =	sshll.u32 @!p0 s0, $0x6;
	p1 =	sne.s32 s26, s12;
	[sflag:s28] =	ssyncset.done @p0 $0x0  }
0x1d: {  	[sflag:s28] =	ssyncadd.s32 @p0 $0xFFFFDF80;
	s28 =	sor.u32 @!p0 $0x1C06, s29;
	s29 =	sshrl.u32 @!p0 s5, $0x3  }
0x1e: {  	[hbm:s10], [sflag:s28] =	dma.local @!p0 [spmem:s29], $0x2780  }
.Ltmp1:
0x1f: {  	_ = 	snop;
	(pc) =	sbr.rel @!p1 .LBB2_5-.Ltmp1, $4  }
0x20: {  	s28 =	simm.s32 @!p0 $0x6  }
0x21: {  	_ =	swait.ge @!p0 [sflag:s28], $0x2780  }
0x22: {  	[sflag:s28] =	ssyncset.done @!p0 $0x0  }
0x23: {  	[sflag:s28] =	ssyncadd.s32 @!p0 $0xFFFFD880  }
.LBB2_1:
0x24: {  	[spmem:s13], [sflag:s7] =	dma.local [hbm:s6], $0x2780  }
0x25: {  	[tilespmem:s3], [sflag:$0x5] =	stream.linear.gather [hbm4b:s8+s3], $0x1400, $0x38;
	[tilespmem:$0x1E400] =	vst v63  }
0x26: {  	_ = 	snop  }
0x27: {  	[tilespmem:s14], [sflag:$0x5] =	stream.linear.gather [hbm4b:s9+s3], $0x1400, $0x38;
	[tilespmem:$0x1E400] =	vst v63  }
0x28: {  	_ =	swait.ge [sflag:s15], $0x2780  }
0x29: {  	[sflag:s15] =	ssyncset.done $0x0  }
0x2a: {  	[sflag:s15] =	ssyncadd.s32 $0xFFFFD880  }
0x2b: {  	_ =	swait.ge [sflag:s15], $0x1400  }
0x2c: {  	[sflag:s15] =	ssyncset.done $0x0  }
0x2d: {  	[sflag:s15] =	ssyncadd.s32 $0xFFFFEC00  }
0x2e: {  	_ =	swait.ge [sflag:s15], $0x1400  }
0x2f: {  	[sflag:s15] =	ssyncset.done $0x0  }
0x30: {  	[sflag:s15] =	ssyncadd.s32 $0xFFFFEC00  }
0x31: {  	[bflag:$0x0] =	sbarrier.arrive $0xFFFF  }
0x32: {  	[tilespmem:s17], [sflag:$0x1] =	stream.indirect.gather [hbm4b:s4+s16], $0x80, s3, s16, $0xb8;
	[tilespmem:$0x1E400] =	vst v63  }
0x33: {  	_ =	swait.ge [sflag:s18], $0x4000  }
0x34: {  	[sflag:s18] =	ssyncset.done $0x0  }
0x35: {  	[sflag:s18] =	ssyncadd.s32 $0xFFFFC000  }
0x36: {  	[spmem:s2] =	stream.indirect.scatter.add.f32 [tilespmem:s17], [sflag:$0x3], $0x80, s14, s16, $0xb8;
	[tilespmem:$0x1E400] =	vst v63  }
0x37: {  	_ = 	snop  }
0x38: {  	[tilespmem:s19], [sflag:$0x2] =	stream.indirect.gather [hbm4b:s4+s16], $0x80, s16, s16, $0xb8;
	[tilespmem:$0x1E400] =	vst v63  }
0x39: {  	_ =	swait.ge [sflag:s20], $0x4000  }
0x3a: {  	[sflag:s20] =	ssyncset.done $0x0  }
0x3b: {  	[sflag:s20] =	ssyncadd.s32 $0xFFFFC000  }
0x3c: {  	[spmem:s2] =	stream.indirect.scatter.add.f32 [tilespmem:s19], [sflag:$0x4], $0x80, s21, s16, $0xb8;
	[tilespmem:$0x1E400] =	vst v63  }
0x3d: {  	_ =	swait.ge [sflag:s22], $0x4000  }
0x3e: {  	[sflag:s22] =	ssyncset.done $0x0  }
0x3f: {  	s28 =	simm.s32 $0xFFFFB800;
	[sflag:s22] =	ssyncadd.s32 $0xFFFFC000  }
0x40: {  	[tilespmem:s17], [sflag:$0x1] =	stream.indirect.gather [hbm4b:s4+s16], $0x80, s23, s16, $0xb8;
	[tilespmem:$0x1E400] =	vst v63  }
.LBB2_2:
0x41: {  	_ =	swait.ge [sflag:s18], $0x4000  }
0x42: {  	s29 =	sshra.s32 s28, $0x2;
	[sflag:s18] =	ssyncset.done $0x0  }
0x43: {  	s30 =	sadd.s32 $0x2700, s29;
	[sflag:s18] =	ssyncadd.s32 $0xFFFFC000  }
0x44: {  	[spmem:s2] =	stream.indirect.scatter.add.f32 [tilespmem:s17], [sflag:$0x3], $0x80, s30, s16, $0xb8;
	[tilespmem:$0x1E400] =	vst v63  }
0x45: {  	_ =	swait.ge [sflag:s24], $0x4000  }
0x46: {  	[sflag:s24] =	ssyncset.done $0x0  }
0x47: {  	s31 =	sadd.s32 $0x1380, s29;
	[sflag:s24] =	ssyncadd.s32 $0xFFFFC000  }
0x48: {  	[tilespmem:s19], [sflag:$0x2] =	stream.indirect.gather [hbm4b:s4+s16], $0x80, s31, s16, $0xb8;
	[tilespmem:$0x1E400] =	vst v63  }
0x49: {  	_ =	swait.ge [sflag:s20], $0x4000  }
0x4a: {  	p1 =	seq.s32 s28, $0x0;
	[sflag:s20] =	ssyncset.done $0x0  }
.Ltmp2:
0x4b: {  	s31 =	sadd.s32 $0x2780, s29;
	[sflag:s20] =	ssyncadd.s32 $0xFFFFC000;
	(pc) =	sbr.rel @p1 .LBB2_4-.Ltmp2, $4  }
0x4c: {  	[spmem:s2] =	stream.indirect.scatter.add.f32 [tilespmem:s19], [sflag:$0x4], $0x80, s31, s16, $0xb8;
	[tilespmem:$0x1E400] =	vst v63  }
0x4d: {  	_ =	swait.ge [sflag:s22], $0x4000  }
0x4e: {  	[sflag:s22] =	ssyncset.done $0x0  }
0x4f: {  	[sflag:s22] =	ssyncadd.s32 $0xFFFFC000  }
.Ltmp3:
0x50: {  	(pc) =	sbr.rel .LBB2_2-.Ltmp3, $3  }
0x51: {  	_ =	sdelay $0x1  }
0x52: {  	s29 =	sadd.s32 $0x1400, s29;
	s28 =	sadd.s32 $0x400, s28  }
0x53: {  	[tilespmem:s17], [sflag:$0x1] =	stream.indirect.gather [hbm4b:s4+s16], $0x80, s29, s16, $0xb8;
	[tilespmem:$0x1E400] =	vst v63  }
.LBB2_5:
0x54: {  	_ =	sfence.sel $0x180000  }
0x55: {  	[bflag:$0x0] =	sbarrier.arrive $0xFFFF  }
0x56: {  	p0 =	sne.s32 s0, $0x0;
	_ =	strace $0x90000047  }
0x57: {  	s0 =	sadd.s32 @!p0 $0x100000, s1;
	[bflag:$0x2] =	sbarrier.arrive $0xFFFF  }
0x58: {  	[sflag:s0] =	ssyncadd.tile.s32 @!p0 $0x1;
	_ =	shalt  }
.Lfunc_end2:
_tile_overlayer_lowered:
.L_overlay_start_2:
0x59: {  	(tag) =	ssettag $0x2  }
0x5a: {  	s0 =	rddreg [dreg:$0x0];
	s2 =	stileid.u32  }
0x5b: {  	s1 =	rddreg [dreg:$0x1];
	p0 =	sne.s32 s2, $0x0  }
0x5c: {  	s3 =	rddreg [dreg:$0x2];
	[bflag:$0x3] =	sbarrier.arrive $0xFFFF;
	s2 =	simm.s32 @!p0 $0x1C06  }
0x5d: {  	[timem:s3], [sflag:s2] =	dma.local @!p0 [hbm:s0], s1  }
0x5e: {  	s0 =	simm.s32 @!p0 $0x6  }
0x5f: {  	_ =	swait.ge @!p0 [sflag:s0], s1  }
0x60: {  	s1 =	ssub.s32 @!p0 $0x0, s1;
	[sflag:s0] =	ssyncset.done @!p0 $0x0  }
0x61: {  	[sflag:s0] =	ssyncadd.s32 @!p0 s1  }
0x62: {  	[bflag:$0x3] =	sbarrier.arrive $0xFFFF  }
0x63: {  	_ =	shalt  }

</sc_bundles>
